<compile_context>
chip_gen: v7x
topology: tpu7x:2x2x1
jax: 0.10.2.dev20260603
libtpu: 0.0.44.dev20260713+nightly
codegen_flags: <defaults>
</compile_context>

<pallas_src>
import functools

import jax
import jax.numpy as jnp
from jax import lax
from jax.experimental import pallas as pl
from jax.experimental.pallas import tpu as pltpu
from jax.experimental.pallas import tpu_sc as plsc

EMBED = 128
G = 80
NBUF = 8
LAG = 4
NU = 16
UPB = NU // 2
SUPER = NU * G


def _sc_gather(idx_flat, table):
    B = idx_flat.shape[0]
    info = plsc.get_sparse_core_info()
    nw = info.num_cores * info.num_subcores
    b_per_w = B // nw
    n_super = b_per_w // SUPER
    mesh = plsc.VectorSubcoreMesh(core_axis_name="c", subcore_axis_name="s")

    @functools.partial(
        pl.kernel,
        mesh=mesh,
        out_type=jax.ShapeDtypeStruct((B, EMBED), jnp.float32),
        scratch_types=(
            [pltpu.VMEM((UPB * G,), jnp.int32)] * 2
            + [pltpu.VMEM((G, EMBED), jnp.float32)] * NBUF
            + [pltpu.VMEM_SHARED((1001, EMBED), jnp.float32)]
            + [pltpu.SemaphoreType.DMA] * (2 * NBUF + 2)
        ),
    )
    def k(idx_hbm, table_hbm, out_hbm, *scratch):
        idxs = scratch[0:2]
        rows = scratch[2:2 + NBUF]
        table_sh = scratch[2 + NBUF]
        gsem = scratch[3 + NBUF:3 + 2 * NBUF]
        ssem = scratch[3 + 2 * NBUF:3 + 3 * NBUF]
        isem = scratch[3 + 3 * NBUF:]

        sid = lax.axis_index("s")
        wid = sid * info.num_cores + lax.axis_index("c")
        base = wid * b_per_w

        @pl.when(sid == 0)
        def _():
            pltpu.sync_copy(table_hbm, table_sh)

        plsc.subcore_barrier()

        def idx_src(row0):
            return idx_hbm.at[pl.ds(pl.multiple_of(row0, 8), UPB * G)]

        def fire_idx(row0, par):
            return pltpu.async_copy(idx_src(row0), idxs[par], isem[par])

        def idx_wait(par):
            pltpu.make_async_copy(idx_src(base), idxs[par], isem[par]).wait()

        def fire_gather(u, ipar):
            return pltpu.async_copy(
                table_sh.at[idxs[ipar].at[pl.ds((u % UPB) * G, G)]],
                rows[u % NBUF],
                gsem[u % NBUF],
            )

        def fire_store(u, blk):
            dst = out_hbm.at[pl.ds(pl.multiple_of(blk + u * G, 8), G)]
            return pltpu.async_copy(rows[u % NBUF], dst, ssem[u % NBUF])

        def store_wait(par):
            pltpu.make_async_copy(
                rows[par], out_hbm.at[pl.ds(pl.multiple_of(base, 8), G)],
                ssem[par],
            ).wait()

        fire_idx(base, 0)
        fire_idx(base + UPB * G, 1)

        def body(i, carry):
            blk = pl.multiple_of(base + i * SUPER, 8)
            gh = {}
            sh = {}
            for u in range(NU):
                if u == 0:
                    idx_wait(0)
                if u == UPB:
                    idx_wait(1)
                if u >= NBUF:
                    sh[u - NBUF].wait()
                else:
                    @pl.when(i > 0)
                    def _(par=u % NBUF):
                        store_wait(par)

                gh[u] = fire_gather(u, u // UPB)
                if u >= LAG:
                    gh[u - LAG].wait()
                    sh[u - LAG] = fire_store(u - LAG, blk)
                if u == UPB + LAG - 1:
                    @pl.when(i + 1 < n_super)
                    def _():
                        fire_idx(blk + SUPER, 0)
            for u in range(NU - LAG, NU):
                gh[u].wait()
                sh[u] = fire_store(u, blk)

            @pl.when(i + 1 < n_super)
            def _():
                fire_idx(blk + SUPER + UPB * G, 1)

            return carry

        lax.fori_loop(0, n_super, body, 0)
        for par in range(NBUF):
            store_wait(par)

    return k(idx_flat, table)


def kernel(t, pos_embedding):
    b, h = t.shape
    idx_flat = t.astype(jnp.int32).reshape(b * h)
    out = _sc_gather(idx_flat, pos_embedding)
    return out.reshape(b, h, EMBED)

# --- scband reference (transcript-rebuilt; emitter-appended) ---
"""Pipeline reference for scband-positional-encoding-58789512348152 (READ-ONLY COPY).

The authoritative reference and input builder live on the scoring server;
editing this copy changes nothing except your own understanding.
"""

import jax, jax.numpy as jnp
import numpy as np

EMBED_DIM = 128
NUM_TIMESTEPS = 1000
BATCH = 16384
HIST = 200

def setup_inputs(seed: int = 0) -> dict:
    key = jax.random.key(seed)
    k1, k2 = jax.random.split(key)
    t = jax.random.randint(k1, (BATCH, HIST), 0, NUM_TIMESTEPS + 1, dtype=jnp.int64 if jax.config.jax_enable_x64 else jnp.int32)
    pos_embedding = jax.random.normal(k2, (NUM_TIMESTEPS + 1, EMBED_DIM), dtype=jnp.float32) * 0.02
    return {"t": t, "pos_embedding": pos_embedding}

def reference(t, pos_embedding):
    # shared=True path: simple embedding gather over timestep indices
    idx = t.astype(jnp.int32)
    return jnp.take(pos_embedding, idx, axis=0)

if __name__ == "__main__":
    import jax
    _d = setup_inputs()
    print(jax.jit(kernel)(*tuple(_d.values())))

</pallas_src>

<mosaic_0001>
#map = affine_map<(d0, d1) -> (0)>
#map1 = affine_map<(d0, d1) -> (0, 0)>
module attributes {stable_mosaic.version = 14 : i64} {
  func.func @k(%arg0: i32, %arg1: i32, %arg2: memref<3276800xi32, #tpu.memory_space<hbm>>, %arg3: memref<1001x128xf32, #tpu.memory_space<hbm>>, %arg4: memref<3276800x128xf32, #tpu.memory_space<hbm>>, %arg5: memref<640xi32, #tpu.memory_space<vmem>>, %arg6: memref<640xi32, #tpu.memory_space<vmem>>, %arg7: memref<80x128xf32, #tpu.memory_space<vmem>>, %arg8: memref<80x128xf32, #tpu.memory_space<vmem>>, %arg9: memref<80x128xf32, #tpu.memory_space<vmem>>, %arg10: memref<80x128xf32, #tpu.memory_space<vmem>>, %arg11: memref<80x128xf32, #tpu.memory_space<vmem>>, %arg12: memref<80x128xf32, #tpu.memory_space<vmem>>, %arg13: memref<80x128xf32, #tpu.memory_space<vmem>>, %arg14: memref<80x128xf32, #tpu.memory_space<vmem>>, %arg15: memref<1001x128xf32, #tpu.memory_space<vmem_shared>>, %arg16: memref<!tpu.dma_semaphore, #tpu.memory_space<semaphore_mem>>, %arg17: memref<!tpu.dma_semaphore, #tpu.memory_space<semaphore_mem>>, %arg18: memref<!tpu.dma_semaphore, #tpu.memory_space<semaphore_mem>>, %arg19: memref<!tpu.dma_semaphore, #tpu.memory_space<semaphore_mem>>, %arg20: memref<!tpu.dma_semaphore, #tpu.memory_space<semaphore_mem>>, %arg21: memref<!tpu.dma_semaphore, #tpu.memory_space<semaphore_mem>>, %arg22: memref<!tpu.dma_semaphore, #tpu.memory_space<semaphore_mem>>, %arg23: memref<!tpu.dma_semaphore, #tpu.memory_space<semaphore_mem>>, %arg24: memref<!tpu.dma_semaphore, #tpu.memory_space<semaphore_mem>>, %arg25: memref<!tpu.dma_semaphore, #tpu.memory_space<semaphore_mem>>, %arg26: memref<!tpu.dma_semaphore, #tpu.memory_space<semaphore_mem>>, %arg27: memref<!tpu.dma_semaphore, #tpu.memory_space<semaphore_mem>>, %arg28: memref<!tpu.dma_semaphore, #tpu.memory_space<semaphore_mem>>, %arg29: memref<!tpu.dma_semaphore, #tpu.memory_space<semaphore_mem>>, %arg30: memref<!tpu.dma_semaphore, #tpu.memory_space<semaphore_mem>>, %arg31: memref<!tpu.dma_semaphore, #tpu.memory_space<semaphore_mem>>, %arg32: memref<!tpu.dma_semaphore, #tpu.memory_space<semaphore_mem>>, %arg33: memref<!tpu.dma_semaphore, #tpu.memory_space<semaphore_mem>>) attributes {dimension_semantics = [#tpu.dimension_semantics<core_parallel>, #tpu.dimension_semantics<subcore_parallel>], iteration_bounds = array<i64: 2, 16>, scalar_prefetch = 0 : i64, scratch_operands = 29 : i64, tpu.core_type = #tpu.core_type<sc_vector_subcore>, window_params = [{transform_indices = #map}, {transform_indices = #map1}, {transform_indices = #map1}]} {
    %mul3A = arith.constant 2 : i32
    %mul3A_0 = arith.muli %arg1, %mul3A : i32
    %add3A = arith.addi %mul3A_0, %arg0 : i32
    %mul3A_1 = arith.constant 102400 : i32
    %mul3A_2 = arith.muli %add3A, %mul3A_1 : i32
    %eq3A = arith.constant 0 : i32
    %eq3A_3 = arith.cmpi eq, %arg1, %eq3A : i32
    %convert_element_type3A = arith.extui %eq3A_3 : i1 to i32
    %cond3A = arith.constant 0 : i32
    %cond3A_4 = arith.cmpi ne, %convert_element_type3A, %cond3A : i32
    scf.if %cond3A_4 {
      "tpu.region"() ({
        %run_scoped3A = tpu.sem_alloc : memref<!tpu.dma_semaphore, #tpu.memory_space<semaphore_mem>>
        tpu.enqueue_dma source(%arg3 : memref<1001x128xf32, #tpu.memory_space<hbm>>) target(%arg15 : memref<1001x128xf32, #tpu.memory_space<vmem_shared>>) target_semaphore(%run_scoped3A : memref<!tpu.dma_semaphore, #tpu.memory_space<semaphore_mem>>)
        tpu.wait_dma2 semaphore(%run_scoped3A : memref<!tpu.dma_semaphore, #tpu.memory_space<semaphore_mem>>) src(%arg3 : memref<1001x128xf32, #tpu.memory_space<hbm>>) dst(%arg15 : memref<1001x128xf32, #tpu.memory_space<vmem_shared>>)
        tpu.yield
      }) : () -> ()
    } else {
    }
    %barrier3A = arith.constant 0 : index
    tpu.barrier barrier_id(%barrier3A)
    %multiple_of3A = tpu.assume_multiple %mul3A_2, 8 : i32
    %dma_start3A = tpu.memref_slice %arg2[%multiple_of3A] : memref<3276800xi32, #tpu.memory_space<hbm>> -> memref<640xi32, #tpu.memory_space<hbm>>
    %dma_start3A_5 = tpu.memref_slice %arg2[%multiple_of3A] : memref<3276800xi32, #tpu.memory_space<hbm>> -> memref<640xi32, #tpu.memory_space<hbm>>
    tpu.enqueue_dma source(%dma_start3A_5 : memref<640xi32, #tpu.memory_space<hbm>>) target(%arg5 : memref<640xi32, #tpu.memory_space<vmem>>) target_semaphore(%arg32 : memref<!tpu.dma_semaphore, #tpu.memory_space<semaphore_mem>>)
    %add3A_6 = arith.constant 640 : i32
    %add3A_7 = arith.addi %mul3A_2, %add3A_6 : i32
    %multiple_of3A_8 = tpu.assume_multiple %add3A_7, 8 : i32
    %dma_start3A_9 = tpu.memref_slice %arg2[%multiple_of3A_8] : memref<3276800xi32, #tpu.memory_space<hbm>> -> memref<640xi32, #tpu.memory_space<hbm>>
    %dma_start3A_10 = tpu.memref_slice %arg2[%multiple_of3A_8] : memref<3276800xi32, #tpu.memory_space<hbm>> -> memref<640xi32, #tpu.memory_space<hbm>>
    tpu.enqueue_dma source(%dma_start3A_10 : memref<640xi32, #tpu.memory_space<hbm>>) target(%arg6 : memref<640xi32, #tpu.memory_space<vmem>>) target_semaphore(%arg33 : memref<!tpu.dma_semaphore, #tpu.memory_space<semaphore_mem>>)
    %scan3A = arith.constant 0 : i32
    %scan3A_11 = arith.constant 0 : i32
    %scan3A_12 = arith.constant 80 : i32
    %scan3A_13 = arith.addi %scan3A_11, %scan3A_12 : i32
    %scan3A_14 = arith.constant 1 : i32
    scf.for %scan3A_55 = %scan3A_11 to %scan3A_13 step %scan3A_14  : i32 {
      %mul3A_56 = arith.constant 1280 : i32
      %mul3A_57 = arith.muli %scan3A_55, %mul3A_56 : i32
      %add3A_58 = arith.addi %mul3A_2, %mul3A_57 : i32
      %multiple_of3A_59 = tpu.assume_multiple %add3A_58, 8 : i32
      %multiple_of3A_60 = tpu.assume_multiple %mul3A_2, 8 : i32
      %dma_wait3A_61 = tpu.memref_slice %arg2[%multiple_of3A_60] : memref<3276800xi32, #tpu.memory_space<hbm>> -> memref<640xi32, #tpu.memory_space<hbm>>
      %dma_wait3A_62 = tpu.memref_slice %arg2[%multiple_of3A_60] : memref<3276800xi32, #tpu.memory_space<hbm>> -> memref<640xi32, #tpu.memory_space<hbm>>
      tpu.wait_dma2 semaphore(%arg32 : memref<!tpu.dma_semaphore, #tpu.memory_space<semaphore_mem>>) src(%dma_wait3A_62 : memref<640xi32, #tpu.memory_space<hbm>>) dst(%arg5 : memref<640xi32, #tpu.memory_space<vmem>>)
      %gt3A = arith.constant 0 : i32
      %gt3A_63 = arith.cmpi sgt, %scan3A_55, %gt3A : i32
      %convert_element_type3A_64 = arith.extui %gt3A_63 : i1 to i32
      %cond3A_65 = arith.constant 0 : i32
      %cond3A_66 = arith.cmpi ne, %convert_element_type3A_64, %cond3A_65 : i32
      scf.if %cond3A_66 {
        %multiple_of3A_422 = tpu.assume_multiple %mul3A_2, 8 : i32
        %dma_wait3A_423 = arith.constant 0 : i32
        %dma_wait3A_424 = tpu.memref_slice %arg4[%multiple_of3A_422, %dma_wait3A_423] : memref<3276800x128xf32, #tpu.memory_space<hbm>> -> memref<80x128xf32, #tpu.memory_space<hbm>>
        %dma_wait3A_425 = arith.constant 0 : i32
        %dma_wait3A_426 = tpu.memref_slice %arg4[%multiple_of3A_422, %dma_wait3A_425] : memref<3276800x128xf32, #tpu.memory_space<hbm>> -> memref<80x128xf32, #tpu.memory_space<hbm>>
        tpu.wait_dma2 semaphore(%arg24 : memref<!tpu.dma_semaphore, #tpu.memory_space<semaphore_mem>>) src(%arg7 : memref<80x128xf32, #tpu.memory_space<vmem>>) dst(%dma_wait3A_426 : memref<80x128xf32, #tpu.memory_space<hbm>>)
      } else {
      }
      %dma_start3A_67 = arith.constant 0 : i32
      %dma_start3A_68 = tpu.memref_slice %arg5[%dma_start3A_67] : memref<640xi32, #tpu.memory_space<vmem>> -> memref<80xi32, #tpu.memory_space<vmem>>
      %dma_start3A_69 = arith.constant 0 : i32
      %dma_start3A_70 = arith.constant 0 : i32
      %dma_start3A_71 = tpu.memref_slice %arg15[%dma_start3A_69, %dma_start3A_70] : memref<1001x128xf32, #tpu.memory_space<vmem_shared>> -> memref<1001x128xf32, #tpu.memory_space<vmem_shared>>
      tpu.enqueue_indirect_dma source(%dma_start3A_71 : memref<1001x128xf32, #tpu.memory_space<vmem_shared>>) target(%arg7 : memref<80x128xf32, #tpu.memory_space<vmem>>) offsets(%dma_start3A_68 : memref<80xi32, #tpu.memory_space<vmem>>) semaphore(%arg16 : memref<!tpu.dma_semaphore, #tpu.memory_space<semaphore_mem>>)
      %gt3A_72 = arith.constant 0 : i32
      %gt3A_73 = arith.cmpi sgt, %scan3A_55, %gt3A_72 : i32
      %convert_element_type3A_74 = arith.extui %gt3A_73 : i1 to i32
      %cond3A_75 = arith.constant 0 : i32
      %cond3A_76 = arith.cmpi ne, %convert_element_type3A_74, %cond3A_75 : i32
      scf.if %cond3A_76 {
        %multiple_of3A_422 = tpu.assume_multiple %mul3A_2, 8 : i32
        %dma_wait3A_423 = arith.constant 0 : i32
        %dma_wait3A_424 = tpu.memref_slice %arg4[%multiple_of3A_422, %dma_wait3A_423] : memref<3276800x128xf32, #tpu.memory_space<hbm>> -> memref<80x128xf32, #tpu.memory_space<hbm>>
        %dma_wait3A_425 = arith.constant 0 : i32
        %dma_wait3A_426 = tpu.memref_slice %arg4[%multiple_of3A_422, %dma_wait3A_425] : memref<3276800x128xf32, #tpu.memory_space<hbm>> -> memref<80x128xf32, #tpu.memory_space<hbm>>
        tpu.wait_dma2 semaphore(%arg25 : memref<!tpu.dma_semaphore, #tpu.memory_space<semaphore_mem>>) src(%arg8 : memref<80x128xf32, #tpu.memory_space<vmem>>) dst(%dma_wait3A_426 : memref<80x128xf32, #tpu.memory_space<hbm>>)
      } else {
      }
      %dma_start3A_77 = arith.constant 80 : i32
      %dma_start3A_78 = tpu.memref_slice %arg5[%dma_start3A_77] : memref<640xi32, #tpu.memory_space<vmem>> -> memref<80xi32, #tpu.memory_space<vmem>>
      %dma_start3A_79 = arith.constant 0 : i32
      %dma_start3A_80 = arith.constant 0 : i32
      %dma_start3A_81 = tpu.memref_slice %arg15[%dma_start3A_79, %dma_start3A_80] : memref<1001x128xf32, #tpu.memory_space<vmem_shared>> -> memref<1001x128xf32, #tpu.memory_space<vmem_shared>>
      tpu.enqueue_indirect_dma source(%dma_start3A_81 : memref<1001x128xf32, #tpu.memory_space<vmem_shared>>) target(%arg8 : memref<80x128xf32, #tpu.memory_space<vmem>>) offsets(%dma_start3A_78 : memref<80xi32, #tpu.memory_space<vmem>>) semaphore(%arg17 : memref<!tpu.dma_semaphore, #tpu.memory_space<semaphore_mem>>)
      %gt3A_82 = arith.constant 0 : i32
      %gt3A_83 = arith.cmpi sgt, %scan3A_55, %gt3A_82 : i32
      %convert_element_type3A_84 = arith.extui %gt3A_83 : i1 to i32
      %cond3A_85 = arith.constant 0 : i32
      %cond3A_86 = arith.cmpi ne, %convert_element_type3A_84, %cond3A_85 : i32
      scf.if %cond3A_86 {
        %multiple_of3A_422 = tpu.assume_multiple %mul3A_2, 8 : i32
        %dma_wait3A_423 = arith.constant 0 : i32
        %dma_wait3A_424 = tpu.memref_slice %arg4[%multiple_of3A_422, %dma_wait3A_423] : memref<3276800x128xf32, #tpu.memory_space<hbm>> -> memref<80x128xf32, #tpu.memory_space<hbm>>
        %dma_wait3A_425 = arith.constant 0 : i32
        %dma_wait3A_426 = tpu.memref_slice %arg4[%multiple_of3A_422, %dma_wait3A_425] : memref<3276800x128xf32, #tpu.memory_space<hbm>> -> memref<80x128xf32, #tpu.memory_space<hbm>>
        tpu.wait_dma2 semaphore(%arg26 : memref<!tpu.dma_semaphore, #tpu.memory_space<semaphore_mem>>) src(%arg9 : memref<80x128xf32, #tpu.memory_space<vmem>>) dst(%dma_wait3A_426 : memref<80x128xf32, #tpu.memory_space<hbm>>)
      } else {
      }
      %dma_start3A_87 = arith.constant 160 : i32
      %dma_start3A_88 = tpu.memref_slice %arg5[%dma_start3A_87] : memref<640xi32, #tpu.memory_space<vmem>> -> memref<80xi32, #tpu.memory_space<vmem>>
      %dma_start3A_89 = arith.constant 0 : i32
      %dma_start3A_90 = arith.constant 0 : i32
      %dma_start3A_91 = tpu.memref_slice %arg15[%dma_start3A_89, %dma_start3A_90] : memref<1001x128xf32, #tpu.memory_space<vmem_shared>> -> memref<1001x128xf32, #tpu.memory_space<vmem_shared>>
      tpu.enqueue_indirect_dma source(%dma_start3A_91 : memref<1001x128xf32, #tpu.memory_space<vmem_shared>>) target(%arg9 : memref<80x128xf32, #tpu.memory_space<vmem>>) offsets(%dma_start3A_88 : memref<80xi32, #tpu.memory_space<vmem>>) semaphore(%arg18 : memref<!tpu.dma_semaphore, #tpu.memory_space<semaphore_mem>>)
      %gt3A_92 = arith.constant 0 : i32
      %gt3A_93 = arith.cmpi sgt, %scan3A_55, %gt3A_92 : i32
      %convert_element_type3A_94 = arith.extui %gt3A_93 : i1 to i32
      %cond3A_95 = arith.constant 0 : i32
      %cond3A_96 = arith.cmpi ne, %convert_element_type3A_94, %cond3A_95 : i32
      scf.if %cond3A_96 {
        %multiple_of3A_422 = tpu.assume_multiple %mul3A_2, 8 : i32
        %dma_wait3A_423 = arith.constant 0 : i32
        %dma_wait3A_424 = tpu.memref_slice %arg4[%multiple_of3A_422, %dma_wait3A_423] : memref<3276800x128xf32, #tpu.memory_space<hbm>> -> memref<80x128xf32, #tpu.memory_space<hbm>>
        %dma_wait3A_425 = arith.constant 0 : i32
        %dma_wait3A_426 = tpu.memref_slice %arg4[%multiple_of3A_422, %dma_wait3A_425] : memref<3276800x128xf32, #tpu.memory_space<hbm>> -> memref<80x128xf32, #tpu.memory_space<hbm>>
        tpu.wait_dma2 semaphore(%arg27 : memref<!tpu.dma_semaphore, #tpu.memory_space<semaphore_mem>>) src(%arg10 : memref<80x128xf32, #tpu.memory_space<vmem>>) dst(%dma_wait3A_426 : memref<80x128xf32, #tpu.memory_space<hbm>>)
      } else {
      }
      %dma_start3A_97 = arith.constant 240 : i32
      %dma_start3A_98 = tpu.memref_slice %arg5[%dma_start3A_97] : memref<640xi32, #tpu.memory_space<vmem>> -> memref<80xi32, #tpu.memory_space<vmem>>
      %dma_start3A_99 = arith.constant 0 : i32
      %dma_start3A_100 = arith.constant 0 : i32
      %dma_start3A_101 = tpu.memref_slice %arg15[%dma_start3A_99, %dma_start3A_100] : memref<1001x128xf32, #tpu.memory_space<vmem_shared>> -> memref<1001x128xf32, #tpu.memory_space<vmem_shared>>
      tpu.enqueue_indirect_dma source(%dma_start3A_101 : memref<1001x128xf32, #tpu.memory_space<vmem_shared>>) target(%arg10 : memref<80x128xf32, #tpu.memory_space<vmem>>) offsets(%dma_start3A_98 : memref<80xi32, #tpu.memory_space<vmem>>) semaphore(%arg19 : memref<!tpu.dma_semaphore, #tpu.memory_space<semaphore_mem>>)
      %gt3A_102 = arith.constant 0 : i32
      %gt3A_103 = arith.cmpi sgt, %scan3A_55, %gt3A_102 : i32
      %convert_element_type3A_104 = arith.extui %gt3A_103 : i1 to i32
      %cond3A_105 = arith.constant 0 : i32
      %cond3A_106 = arith.cmpi ne, %convert_element_type3A_104, %cond3A_105 : i32
      scf.if %cond3A_106 {
        %multiple_of3A_422 = tpu.assume_multiple %mul3A_2, 8 : i32
        %dma_wait3A_423 = arith.constant 0 : i32
        %dma_wait3A_424 = tpu.memref_slice %arg4[%multiple_of3A_422, %dma_wait3A_423] : memref<3276800x128xf32, #tpu.memory_space<hbm>> -> memref<80x128xf32, #tpu.memory_space<hbm>>
        %dma_wait3A_425 = arith.constant 0 : i32
        %dma_wait3A_426 = tpu.memref_slice %arg4[%multiple_of3A_422, %dma_wait3A_425] : memref<3276800x128xf32, #tpu.memory_space<hbm>> -> memref<80x128xf32, #tpu.memory_space<hbm>>
        tpu.wait_dma2 semaphore(%arg28 : memref<!tpu.dma_semaphore, #tpu.memory_space<semaphore_mem>>) src(%arg11 : memref<80x128xf32, #tpu.memory_space<vmem>>) dst(%dma_wait3A_426 : memref<80x128xf32, #tpu.memory_space<hbm>>)
      } else {
      }
      %dma_start3A_107 = arith.constant 320 : i32
      %dma_start3A_108 = tpu.memref_slice %arg5[%dma_start3A_107] : memref<640xi32, #tpu.memory_space<vmem>> -> memref<80xi32, #tpu.memory_space<vmem>>
      %dma_start3A_109 = arith.constant 0 : i32
      %dma_start3A_110 = arith.constant 0 : i32
      %dma_start3A_111 = tpu.memref_slice %arg15[%dma_start3A_109, %dma_start3A_110] : memref<1001x128xf32, #tpu.memory_space<vmem_shared>> -> memref<1001x128xf32, #tpu.memory_space<vmem_shared>>
      tpu.enqueue_indirect_dma source(%dma_start3A_111 : memref<1001x128xf32, #tpu.memory_space<vmem_shared>>) target(%arg11 : memref<80x128xf32, #tpu.memory_space<vmem>>) offsets(%dma_start3A_108 : memref<80xi32, #tpu.memory_space<vmem>>) semaphore(%arg20 : memref<!tpu.dma_semaphore, #tpu.memory_space<semaphore_mem>>)
      %dma_wait3A_112 = arith.constant 0 : i32
      %dma_wait3A_113 = tpu.memref_slice %arg5[%dma_wait3A_112] : memref<640xi32, #tpu.memory_space<vmem>> -> memref<80xi32, #tpu.memory_space<vmem>>
      %dma_wait3A_114 = arith.constant 0 : i32
      %dma_wait3A_115 = arith.constant 0 : i32
      %dma_wait3A_116 = tpu.memref_slice %arg15[%dma_wait3A_114, %dma_wait3A_115] : memref<1001x128xf32, #tpu.memory_space<vmem_shared>> -> memref<1001x128xf32, #tpu.memory_space<vmem_shared>>
      tpu.wait_indirect_dma semaphore(%arg16 : memref<!tpu.dma_semaphore, #tpu.memory_space<semaphore_mem>>) src(%dma_wait3A_116 : memref<1001x128xf32, #tpu.memory_space<vmem_shared>>) dst(%arg7 : memref<80x128xf32, #tpu.memory_space<vmem>>)
      %add3A_117 = arith.constant 0 : i32
      %add3A_118 = arith.addi %multiple_of3A_59, %add3A_117 : i32
      %multiple_of3A_119 = tpu.assume_multiple %add3A_118, 8 : i32
      %dma_start3A_120 = arith.constant 0 : i32
      %dma_start3A_121 = tpu.memref_slice %arg4[%multiple_of3A_119, %dma_start3A_120] : memref<3276800x128xf32, #tpu.memory_space<hbm>> -> memref<80x128xf32, #tpu.memory_space<hbm>>
      %dma_start3A_122 = arith.constant 0 : i32
      %dma_start3A_123 = tpu.memref_slice %arg4[%multiple_of3A_119, %dma_start3A_122] : memref<3276800x128xf32, #tpu.memory_space<hbm>> -> memref<80x128xf32, #tpu.memory_space<hbm>>
      tpu.enqueue_dma source(%arg7 : memref<80x128xf32, #tpu.memory_space<vmem>>) target(%dma_start3A_123 : memref<80x128xf32, #tpu.memory_space<hbm>>) target_semaphore(%arg24 : memref<!tpu.dma_semaphore, #tpu.memory_space<semaphore_mem>>)
      %gt3A_124 = arith.constant 0 : i32
      %gt3A_125 = arith.cmpi sgt, %scan3A_55, %gt3A_124 : i32
      %convert_element_type3A_126 = arith.extui %gt3A_125 : i1 to i32
      %cond3A_127 = arith.constant 0 : i32
      %cond3A_128 = arith.cmpi ne, %convert_element_type3A_126, %cond3A_127 : i32
      scf.if %cond3A_128 {
        %multiple_of3A_422 = tpu.assume_multiple %mul3A_2, 8 : i32
        %dma_wait3A_423 = arith.constant 0 : i32
        %dma_wait3A_424 = tpu.memref_slice %arg4[%multiple_of3A_422, %dma_wait3A_423] : memref<3276800x128xf32, #tpu.memory_space<hbm>> -> memref<80x128xf32, #tpu.memory_space<hbm>>
        %dma_wait3A_425 = arith.constant 0 : i32
        %dma_wait3A_426 = tpu.memref_slice %arg4[%multiple_of3A_422, %dma_wait3A_425] : memref<3276800x128xf32, #tpu.memory_space<hbm>> -> memref<80x128xf32, #tpu.memory_space<hbm>>
        tpu.wait_dma2 semaphore(%arg29 : memref<!tpu.dma_semaphore, #tpu.memory_space<semaphore_mem>>) src(%arg12 : memref<80x128xf32, #tpu.memory_space<vmem>>) dst(%dma_wait3A_426 : memref<80x128xf32, #tpu.memory_space<hbm>>)
      } else {
      }
      %dma_start3A_129 = arith.constant 400 : i32
      %dma_start3A_130 = tpu.memref_slice %arg5[%dma_start3A_129] : memref<640xi32, #tpu.memory_space<vmem>> -> memref<80xi32, #tpu.memory_space<vmem>>
      %dma_start3A_131 = arith.constant 0 : i32
      %dma_start3A_132 = arith.constant 0 : i32
      %dma_start3A_133 = tpu.memref_slice %arg15[%dma_start3A_131, %dma_start3A_132] : memref<1001x128xf32, #tpu.memory_space<vmem_shared>> -> memref<1001x128xf32, #tpu.memory_space<vmem_shared>>
      tpu.enqueue_indirect_dma source(%dma_start3A_133 : memref<1001x128xf32, #tpu.memory_space<vmem_shared>>) target(%arg12 : memref<80x128xf32, #tpu.memory_space<vmem>>) offsets(%dma_start3A_130 : memref<80xi32, #tpu.memory_space<vmem>>) semaphore(%arg21 : memref<!tpu.dma_semaphore, #tpu.memory_space<semaphore_mem>>)
      %dma_wait3A_134 = arith.constant 80 : i32
      %dma_wait3A_135 = tpu.memref_slice %arg5[%dma_wait3A_134] : memref<640xi32, #tpu.memory_space<vmem>> -> memref<80xi32, #tpu.memory_space<vmem>>
      %dma_wait3A_136 = arith.constant 0 : i32
      %dma_wait3A_137 = arith.constant 0 : i32
      %dma_wait3A_138 = tpu.memref_slice %arg15[%dma_wait3A_136, %dma_wait3A_137] : memref<1001x128xf32, #tpu.memory_space<vmem_shared>> -> memref<1001x128xf32, #tpu.memory_space<vmem_shared>>
      tpu.wait_indirect_dma semaphore(%arg17 : memref<!tpu.dma_semaphore, #tpu.memory_space<semaphore_mem>>) src(%dma_wait3A_138 : memref<1001x128xf32, #tpu.memory_space<vmem_shared>>) dst(%arg8 : memref<80x128xf32, #tpu.memory_space<vmem>>)
      %add3A_139 = arith.constant 80 : i32
      %add3A_140 = arith.addi %multiple_of3A_59, %add3A_139 : i32
      %multiple_of3A_141 = tpu.assume_multiple %add3A_140, 8 : i32
      %dma_start3A_142 = arith.constant 0 : i32
      %dma_start3A_143 = tpu.memref_slice %arg4[%multiple_of3A_141, %dma_start3A_142] : memref<3276800x128xf32, #tpu.memory_space<hbm>> -> memref<80x128xf32, #tpu.memory_space<hbm>>
      %dma_start3A_144 = arith.constant 0 : i32
      %dma_start3A_145 = tpu.memref_slice %arg4[%multiple_of3A_141, %dma_start3A_144] : memref<3276800x128xf32, #tpu.memory_space<hbm>> -> memref<80x128xf32, #tpu.memory_space<hbm>>
      tpu.enqueue_dma source(%arg8 : memref<80x128xf32, #tpu.memory_space<vmem>>) target(%dma_start3A_145 : memref<80x128xf32, #tpu.memory_space<hbm>>) target_semaphore(%arg25 : memref<!tpu.dma_semaphore, #tpu.memory_space<semaphore_mem>>)
      %gt3A_146 = arith.constant 0 : i32
      %gt3A_147 = arith.cmpi sgt, %scan3A_55, %gt3A_146 : i32
      %convert_element_type3A_148 = arith.extui %gt3A_147 : i1 to i32
      %cond3A_149 = arith.constant 0 : i32
      %cond3A_150 = arith.cmpi ne, %convert_element_type3A_148, %cond3A_149 : i32
      scf.if %cond3A_150 {
        %multiple_of3A_422 = tpu.assume_multiple %mul3A_2, 8 : i32
        %dma_wait3A_423 = arith.constant 0 : i32
        %dma_wait3A_424 = tpu.memref_slice %arg4[%multiple_of3A_422, %dma_wait3A_423] : memref<3276800x128xf32, #tpu.memory_space<hbm>> -> memref<80x128xf32, #tpu.memory_space<hbm>>
        %dma_wait3A_425 = arith.constant 0 : i32
        %dma_wait3A_426 = tpu.memref_slice %arg4[%multiple_of3A_422, %dma_wait3A_425] : memref<3276800x128xf32, #tpu.memory_space<hbm>> -> memref<80x128xf32, #tpu.memory_space<hbm>>
        tpu.wait_dma2 semaphore(%arg30 : memref<!tpu.dma_semaphore, #tpu.memory_space<semaphore_mem>>) src(%arg13 : memref<80x128xf32, #tpu.memory_space<vmem>>) dst(%dma_wait3A_426 : memref<80x128xf32, #tpu.memory_space<hbm>>)
      } else {
      }
      %dma_start3A_151 = arith.constant 480 : i32
      %dma_start3A_152 = tpu.memref_slice %arg5[%dma_start3A_151] : memref<640xi32, #tpu.memory_space<vmem>> -> memref<80xi32, #tpu.memory_space<vmem>>
      %dma_start3A_153 = arith.constant 0 : i32
      %dma_start3A_154 = arith.constant 0 : i32
      %dma_start3A_155 = tpu.memref_slice %arg15[%dma_start3A_153, %dma_start3A_154] : memref<1001x128xf32, #tpu.memory_space<vmem_shared>> -> memref<1001x128xf32, #tpu.memory_space<vmem_shared>>
      tpu.enqueue_indirect_dma source(%dma_start3A_155 : memref<1001x128xf32, #tpu.memory_space<vmem_shared>>) target(%arg13 : memref<80x128xf32, #tpu.memory_space<vmem>>) offsets(%dma_start3A_152 : memref<80xi32, #tpu.memory_space<vmem>>) semaphore(%arg22 : memref<!tpu.dma_semaphore, #tpu.memory_space<semaphore_mem>>)
      %dma_wait3A_156 = arith.constant 160 : i32
      %dma_wait3A_157 = tpu.memref_slice %arg5[%dma_wait3A_156] : memref<640xi32, #tpu.memory_space<vmem>> -> memref<80xi32, #tpu.memory_space<vmem>>
      %dma_wait3A_158 = arith.constant 0 : i32
      %dma_wait3A_159 = arith.constant 0 : i32
      %dma_wait3A_160 = tpu.memref_slice %arg15[%dma_wait3A_158, %dma_wait3A_159] : memref<1001x128xf32, #tpu.memory_space<vmem_shared>> -> memref<1001x128xf32, #tpu.memory_space<vmem_shared>>
      tpu.wait_indirect_dma semaphore(%arg18 : memref<!tpu.dma_semaphore, #tpu.memory_space<semaphore_mem>>) src(%dma_wait3A_160 : memref<1001x128xf32, #tpu.memory_space<vmem_shared>>) dst(%arg9 : memref<80x128xf32, #tpu.memory_space<vmem>>)
      %add3A_161 = arith.constant 160 : i32
      %add3A_162 = arith.addi %multiple_of3A_59, %add3A_161 : i32
      %multiple_of3A_163 = tpu.assume_multiple %add3A_162, 8 : i32
      %dma_start3A_164 = arith.constant 0 : i32
      %dma_start3A_165 = tpu.memref_slice %arg4[%multiple_of3A_163, %dma_start3A_164] : memref<3276800x128xf32, #tpu.memory_space<hbm>> -> memref<80x128xf32, #tpu.memory_space<hbm>>
      %dma_start3A_166 = arith.constant 0 : i32
      %dma_start3A_167 = tpu.memref_slice %arg4[%multiple_of3A_163, %dma_start3A_166] : memref<3276800x128xf32, #tpu.memory_space<hbm>> -> memref<80x128xf32, #tpu.memory_space<hbm>>
      tpu.enqueue_dma source(%arg9 : memref<80x128xf32, #tpu.memory_space<vmem>>) target(%dma_start3A_167 : memref<80x128xf32, #tpu.memory_space<hbm>>) target_semaphore(%arg26 : memref<!tpu.dma_semaphore, #tpu.memory_space<semaphore_mem>>)
      %gt3A_168 = arith.constant 0 : i32
      %gt3A_169 = arith.cmpi sgt, %scan3A_55, %gt3A_168 : i32
      %convert_element_type3A_170 = arith.extui %gt3A_169 : i1 to i32
      %cond3A_171 = arith.constant 0 : i32
      %cond3A_172 = arith.cmpi ne, %convert_element_type3A_170, %cond3A_171 : i32
      scf.if %cond3A_172 {
        %multiple_of3A_422 = tpu.assume_multiple %mul3A_2, 8 : i32
        %dma_wait3A_423 = arith.constant 0 : i32
        %dma_wait3A_424 = tpu.memref_slice %arg4[%multiple_of3A_422, %dma_wait3A_423] : memref<3276800x128xf32, #tpu.memory_space<hbm>> -> memref<80x128xf32, #tpu.memory_space<hbm>>
        %dma_wait3A_425 = arith.constant 0 : i32
        %dma_wait3A_426 = tpu.memref_slice %arg4[%multiple_of3A_422, %dma_wait3A_425] : memref<3276800x128xf32, #tpu.memory_space<hbm>> -> memref<80x128xf32, #tpu.memory_space<hbm>>
        tpu.wait_dma2 semaphore(%arg31 : memref<!tpu.dma_semaphore, #tpu.memory_space<semaphore_mem>>) src(%arg14 : memref<80x128xf32, #tpu.memory_space<vmem>>) dst(%dma_wait3A_426 : memref<80x128xf32, #tpu.memory_space<hbm>>)
      } else {
      }
      %dma_start3A_173 = arith.constant 560 : i32
      %dma_start3A_174 = tpu.memref_slice %arg5[%dma_start3A_173] : memref<640xi32, #tpu.memory_space<vmem>> -> memref<80xi32, #tpu.memory_space<vmem>>
      %dma_start3A_175 = arith.constant 0 : i32
      %dma_start3A_176 = arith.constant 0 : i32
      %dma_start3A_177 = tpu.memref_slice %arg15[%dma_start3A_175, %dma_start3A_176] : memref<1001x128xf32, #tpu.memory_space<vmem_shared>> -> memref<1001x128xf32, #tpu.memory_space<vmem_shared>>
      tpu.enqueue_indirect_dma source(%dma_start3A_177 : memref<1001x128xf32, #tpu.memory_space<vmem_shared>>) target(%arg14 : memref<80x128xf32, #tpu.memory_space<vmem>>) offsets(%dma_start3A_174 : memref<80xi32, #tpu.memory_space<vmem>>) semaphore(%arg23 : memref<!tpu.dma_semaphore, #tpu.memory_space<semaphore_mem>>)
      %dma_wait3A_178 = arith.constant 240 : i32
      %dma_wait3A_179 = tpu.memref_slice %arg5[%dma_wait3A_178] : memref<640xi32, #tpu.memory_space<vmem>> -> memref<80xi32, #tpu.memory_space<vmem>>
      %dma_wait3A_180 = arith.constant 0 : i32
      %dma_wait3A_181 = arith.constant 0 : i32
      %dma_wait3A_182 = tpu.memref_slice %arg15[%dma_wait3A_180, %dma_wait3A_181] : memref<1001x128xf32, #tpu.memory_space<vmem_shared>> -> memref<1001x128xf32, #tpu.memory_space<vmem_shared>>
      tpu.wait_indirect_dma semaphore(%arg19 : memref<!tpu.dma_semaphore, #tpu.memory_space<semaphore_mem>>) src(%dma_wait3A_182 : memref<1001x128xf32, #tpu.memory_space<vmem_shared>>) dst(%arg10 : memref<80x128xf32, #tpu.memory_space<vmem>>)
      %add3A_183 = arith.constant 240 : i32
      %add3A_184 = arith.addi %multiple_of3A_59, %add3A_183 : i32
      %multiple_of3A_185 = tpu.assume_multiple %add3A_184, 8 : i32
      %dma_start3A_186 = arith.constant 0 : i32
      %dma_start3A_187 = tpu.memref_slice %arg4[%multiple_of3A_185, %dma_start3A_186] : memref<3276800x128xf32, #tpu.memory_space<hbm>> -> memref<80x128xf32, #tpu.memory_space<hbm>>
      %dma_start3A_188 = arith.constant 0 : i32
      %dma_start3A_189 = tpu.memref_slice %arg4[%multiple_of3A_185, %dma_start3A_188] : memref<3276800x128xf32, #tpu.memory_space<hbm>> -> memref<80x128xf32, #tpu.memory_space<hbm>>
      tpu.enqueue_dma source(%arg10 : memref<80x128xf32, #tpu.memory_space<vmem>>) target(%dma_start3A_189 : memref<80x128xf32, #tpu.memory_space<hbm>>) target_semaphore(%arg27 : memref<!tpu.dma_semaphore, #tpu.memory_space<semaphore_mem>>)
      %multiple_of3A_190 = tpu.assume_multiple %mul3A_2, 8 : i32
      %dma_wait3A_191 = tpu.memref_slice %arg2[%multiple_of3A_190] : memref<3276800xi32, #tpu.memory_space<hbm>> -> memref<640xi32, #tpu.memory_space<hbm>>
      %dma_wait3A_192 = tpu.memref_slice %arg2[%multiple_of3A_190] : memref<3276800xi32, #tpu.memory_space<hbm>> -> memref<640xi32, #tpu.memory_space<hbm>>
      tpu.wait_dma2 semaphore(%arg33 : memref<!tpu.dma_semaphore, #tpu.memory_space<semaphore_mem>>) src(%dma_wait3A_192 : memref<640xi32, #tpu.memory_space<hbm>>) dst(%arg6 : memref<640xi32, #tpu.memory_space<vmem>>)
      %dma_wait3A_193 = arith.constant 0 : i32
      %dma_wait3A_194 = tpu.memref_slice %arg4[%multiple_of3A_119, %dma_wait3A_193] : memref<3276800x128xf32, #tpu.memory_space<hbm>> -> memref<80x128xf32, #tpu.memory_space<hbm>>
      %dma_wait3A_195 = arith.constant 0 : i32
      %dma_wait3A_196 = tpu.memref_slice %arg4[%multiple_of3A_119, %dma_wait3A_195] : memref<3276800x128xf32, #tpu.memory_space<hbm>> -> memref<80x128xf32, #tpu.memory_space<hbm>>
      tpu.wait_dma2 semaphore(%arg24 : memref<!tpu.dma_semaphore, #tpu.memory_space<semaphore_mem>>) src(%arg7 : memref<80x128xf32, #tpu.memory_space<vmem>>) dst(%dma_wait3A_196 : memref<80x128xf32, #tpu.memory_space<hbm>>)
      %dma_start3A_197 = arith.constant 0 : i32
      %dma_start3A_198 = tpu.memref_slice %arg6[%dma_start3A_197] : memref<640xi32, #tpu.memory_space<vmem>> -> memref<80xi32, #tpu.memory_space<vmem>>
      %dma_start3A_199 = arith.constant 0 : i32
      %dma_start3A_200 = arith.constant 0 : i32
      %dma_start3A_201 = tpu.memref_slice %arg15[%dma_start3A_199, %dma_start3A_200] : memref<1001x128xf32, #tpu.memory_space<vmem_shared>> -> memref<1001x128xf32, #tpu.memory_space<vmem_shared>>
      tpu.enqueue_indirect_dma source(%dma_start3A_201 : memref<1001x128xf32, #tpu.memory_space<vmem_shared>>) target(%arg7 : memref<80x128xf32, #tpu.memory_space<vmem>>) offsets(%dma_start3A_198 : memref<80xi32, #tpu.memory_space<vmem>>) semaphore(%arg16 : memref<!tpu.dma_semaphore, #tpu.memory_space<semaphore_mem>>)
      %dma_wait3A_202 = arith.constant 320 : i32
      %dma_wait3A_203 = tpu.memref_slice %arg5[%dma_wait3A_202] : memref<640xi32, #tpu.memory_space<vmem>> -> memref<80xi32, #tpu.memory_space<vmem>>
      %dma_wait3A_204 = arith.constant 0 : i32
      %dma_wait3A_205 = arith.constant 0 : i32
      %dma_wait3A_206 = tpu.memref_slice %arg15[%dma_wait3A_204, %dma_wait3A_205] : memref<1001x128xf32, #tpu.memory_space<vmem_shared>> -> memref<1001x128xf32, #tpu.memory_space<vmem_shared>>
      tpu.wait_indirect_dma semaphore(%arg20 : memref<!tpu.dma_semaphore, #tpu.memory_space<semaphore_mem>>) src(%dma_wait3A_206 : memref<1001x128xf32, #tpu.memory_space<vmem_shared>>) dst(%arg11 : memref<80x128xf32, #tpu.memory_space<vmem>>)
      %add3A_207 = arith.constant 320 : i32
      %add3A_208 = arith.addi %multiple_of3A_59, %add3A_207 : i32
      %multiple_of3A_209 = tpu.assume_multiple %add3A_208, 8 : i32
      %dma_start3A_210 = arith.constant 0 : i32
      %dma_start3A_211 = tpu.memref_slice %arg4[%multiple_of3A_209, %dma_start3A_210] : memref<3276800x128xf32, #tpu.memory_space<hbm>> -> memref<80x128xf32, #tpu.memory_space<hbm>>
      %dma_start3A_212 = arith.constant 0 : i32
      %dma_start3A_213 = tpu.memref_slice %arg4[%multiple_of3A_209, %dma_start3A_212] : memref<3276800x128xf32, #tpu.memory_space<hbm>> -> memref<80x128xf32, #tpu.memory_space<hbm>>
      tpu.enqueue_dma source(%arg11 : memref<80x128xf32, #tpu.memory_space<vmem>>) target(%dma_start3A_213 : memref<80x128xf32, #tpu.memory_space<hbm>>) target_semaphore(%arg28 : memref<!tpu.dma_semaphore, #tpu.memory_space<semaphore_mem>>)
      %dma_wait3A_214 = arith.constant 0 : i32
      %dma_wait3A_215 = tpu.memref_slice %arg4[%multiple_of3A_141, %dma_wait3A_214] : memref<3276800x128xf32, #tpu.memory_space<hbm>> -> memref<80x128xf32, #tpu.memory_space<hbm>>
      %dma_wait3A_216 = arith.constant 0 : i32
      %dma_wait3A_217 = tpu.memref_slice %arg4[%multiple_of3A_141, %dma_wait3A_216] : memref<3276800x128xf32, #tpu.memory_space<hbm>> -> memref<80x128xf32, #tpu.memory_space<hbm>>
      tpu.wait_dma2 semaphore(%arg25 : memref<!tpu.dma_semaphore, #tpu.memory_space<semaphore_mem>>) src(%arg8 : memref<80x128xf32, #tpu.memory_space<vmem>>) dst(%dma_wait3A_217 : memref<80x128xf32, #tpu.memory_space<hbm>>)
      %dma_start3A_218 = arith.constant 80 : i32
      %dma_start3A_219 = tpu.memref_slice %arg6[%dma_start3A_218] : memref<640xi32, #tpu.memory_space<vmem>> -> memref<80xi32, #tpu.memory_space<vmem>>
      %dma_start3A_220 = arith.constant 0 : i32
      %dma_start3A_221 = arith.constant 0 : i32
      %dma_start3A_222 = tpu.memref_slice %arg15[%dma_start3A_220, %dma_start3A_221] : memref<1001x128xf32, #tpu.memory_space<vmem_shared>> -> memref<1001x128xf32, #tpu.memory_space<vmem_shared>>
      tpu.enqueue_indirect_dma source(%dma_start3A_222 : memref<1001x128xf32, #tpu.memory_space<vmem_shared>>) target(%arg8 : memref<80x128xf32, #tpu.memory_space<vmem>>) offsets(%dma_start3A_219 : memref<80xi32, #tpu.memory_space<vmem>>) semaphore(%arg17 : memref<!tpu.dma_semaphore, #tpu.memory_space<semaphore_mem>>)
      %dma_wait3A_223 = arith.constant 400 : i32
      %dma_wait3A_224 = tpu.memref_slice %arg5[%dma_wait3A_223] : memref<640xi32, #tpu.memory_space<vmem>> -> memref<80xi32, #tpu.memory_space<vmem>>
      %dma_wait3A_225 = arith.constant 0 : i32
      %dma_wait3A_226 = arith.constant 0 : i32
      %dma_wait3A_227 = tpu.memref_slice %arg15[%dma_wait3A_225, %dma_wait3A_226] : memref<1001x128xf32, #tpu.memory_space<vmem_shared>> -> memref<1001x128xf32, #tpu.memory_space<vmem_shared>>
      tpu.wait_indirect_dma semaphore(%arg21 : memref<!tpu.dma_semaphore, #tpu.memory_space<semaphore_mem>>) src(%dma_wait3A_227 : memref<1001x128xf32, #tpu.memory_space<vmem_shared>>) dst(%arg12 : memref<80x128xf32, #tpu.memory_space<vmem>>)
      %add3A_228 = arith.constant 400 : i32
      %add3A_229 = arith.addi %multiple_of3A_59, %add3A_228 : i32
      %multiple_of3A_230 = tpu.assume_multiple %add3A_229, 8 : i32
      %dma_start3A_231 = arith.constant 0 : i32
      %dma_start3A_232 = tpu.memref_slice %arg4[%multiple_of3A_230, %dma_start3A_231] : memref<3276800x128xf32, #tpu.memory_space<hbm>> -> memref<80x128xf32, #tpu.memory_space<hbm>>
      %dma_start3A_233 = arith.constant 0 : i32
      %dma_start3A_234 = tpu.memref_slice %arg4[%multiple_of3A_230, %dma_start3A_233] : memref<3276800x128xf32, #tpu.memory_space<hbm>> -> memref<80x128xf32, #tpu.memory_space<hbm>>
      tpu.enqueue_dma source(%arg12 : memref<80x128xf32, #tpu.memory_space<vmem>>) target(%dma_start3A_234 : memref<80x128xf32, #tpu.memory_space<hbm>>) target_semaphore(%arg29 : memref<!tpu.dma_semaphore, #tpu.memory_space<semaphore_mem>>)
      %dma_wait3A_235 = arith.constant 0 : i32
      %dma_wait3A_236 = tpu.memref_slice %arg4[%multiple_of3A_163, %dma_wait3A_235] : memref<3276800x128xf32, #tpu.memory_space<hbm>> -> memref<80x128xf32, #tpu.memory_space<hbm>>
      %dma_wait3A_237 = arith.constant 0 : i32
      %dma_wait3A_238 = tpu.memref_slice %arg4[%multiple_of3A_163, %dma_wait3A_237] : memref<3276800x128xf32, #tpu.memory_space<hbm>> -> memref<80x128xf32, #tpu.memory_space<hbm>>
      tpu.wait_dma2 semaphore(%arg26 : memref<!tpu.dma_semaphore, #tpu.memory_space<semaphore_mem>>) src(%arg9 : memref<80x128xf32, #tpu.memory_space<vmem>>) dst(%dma_wait3A_238 : memref<80x128xf32, #tpu.memory_space<hbm>>)
      %dma_start3A_239 = arith.constant 160 : i32
      %dma_start3A_240 = tpu.memref_slice %arg6[%dma_start3A_239] : memref<640xi32, #tpu.memory_space<vmem>> -> memref<80xi32, #tpu.memory_space<vmem>>
      %dma_start3A_241 = arith.constant 0 : i32
      %dma_start3A_242 = arith.constant 0 : i32
      %dma_start3A_243 = tpu.memref_slice %arg15[%dma_start3A_241, %dma_start3A_242] : memref<1001x128xf32, #tpu.memory_space<vmem_shared>> -> memref<1001x128xf32, #tpu.memory_space<vmem_shared>>
      tpu.enqueue_indirect_dma source(%dma_start3A_243 : memref<1001x128xf32, #tpu.memory_space<vmem_shared>>) target(%arg9 : memref<80x128xf32, #tpu.memory_space<vmem>>) offsets(%dma_start3A_240 : memref<80xi32, #tpu.memory_space<vmem>>) semaphore(%arg18 : memref<!tpu.dma_semaphore, #tpu.memory_space<semaphore_mem>>)
      %dma_wait3A_244 = arith.constant 480 : i32
      %dma_wait3A_245 = tpu.memref_slice %arg5[%dma_wait3A_244] : memref<640xi32, #tpu.memory_space<vmem>> -> memref<80xi32, #tpu.memory_space<vmem>>
      %dma_wait3A_246 = arith.constant 0 : i32
      %dma_wait3A_247 = arith.constant 0 : i32
      %dma_wait3A_248 = tpu.memref_slice %arg15[%dma_wait3A_246, %dma_wait3A_247] : memref<1001x128xf32, #tpu.memory_space<vmem_shared>> -> memref<1001x128xf32, #tpu.memory_space<vmem_shared>>
      tpu.wait_indirect_dma semaphore(%arg22 : memref<!tpu.dma_semaphore, #tpu.memory_space<semaphore_mem>>) src(%dma_wait3A_248 : memref<1001x128xf32, #tpu.memory_space<vmem_shared>>) dst(%arg13 : memref<80x128xf32, #tpu.memory_space<vmem>>)
      %add3A_249 = arith.constant 480 : i32
      %add3A_250 = arith.addi %multiple_of3A_59, %add3A_249 : i32
      %multiple_of3A_251 = tpu.assume_multiple %add3A_250, 8 : i32
      %dma_start3A_252 = arith.constant 0 : i32
      %dma_start3A_253 = tpu.memref_slice %arg4[%multiple_of3A_251, %dma_start3A_252] : memref<3276800x128xf32, #tpu.memory_space<hbm>> -> memref<80x128xf32, #tpu.memory_space<hbm>>
      %dma_start3A_254 = arith.constant 0 : i32
      %dma_start3A_255 = tpu.memref_slice %arg4[%multiple_of3A_251, %dma_start3A_254] : memref<3276800x128xf32, #tpu.memory_space<hbm>> -> memref<80x128xf32, #tpu.memory_space<hbm>>
      tpu.enqueue_dma source(%arg13 : memref<80x128xf32, #tpu.memory_space<vmem>>) target(%dma_start3A_255 : memref<80x128xf32, #tpu.memory_space<hbm>>) target_semaphore(%arg30 : memref<!tpu.dma_semaphore, #tpu.memory_space<semaphore_mem>>)
      %dma_wait3A_256 = arith.constant 0 : i32
      %dma_wait3A_257 = tpu.memref_slice %arg4[%multiple_of3A_185, %dma_wait3A_256] : memref<3276800x128xf32, #tpu.memory_space<hbm>> -> memref<80x128xf32, #tpu.memory_space<hbm>>
      %dma_wait3A_258 = arith.constant 0 : i32
      %dma_wait3A_259 = tpu.memref_slice %arg4[%multiple_of3A_185, %dma_wait3A_258] : memref<3276800x128xf32, #tpu.memory_space<hbm>> -> memref<80x128xf32, #tpu.memory_space<hbm>>
      tpu.wait_dma2 semaphore(%arg27 : memref<!tpu.dma_semaphore, #tpu.memory_space<semaphore_mem>>) src(%arg10 : memref<80x128xf32, #tpu.memory_space<vmem>>) dst(%dma_wait3A_259 : memref<80x128xf32, #tpu.memory_space<hbm>>)
      %dma_start3A_260 = arith.constant 240 : i32
      %dma_start3A_261 = tpu.memref_slice %arg6[%dma_start3A_260] : memref<640xi32, #tpu.memory_space<vmem>> -> memref<80xi32, #tpu.memory_space<vmem>>
      %dma_start3A_262 = arith.constant 0 : i32
      %dma_start3A_263 = arith.constant 0 : i32
      %dma_start3A_264 = tpu.memref_slice %arg15[%dma_start3A_262, %dma_start3A_263] : memref<1001x128xf32, #tpu.memory_space<vmem_shared>> -> memref<1001x128xf32, #tpu.memory_space<vmem_shared>>
      tpu.enqueue_indirect_dma source(%dma_start3A_264 : memref<1001x128xf32, #tpu.memory_space<vmem_shared>>) target(%arg10 : memref<80x128xf32, #tpu.memory_space<vmem>>) offsets(%dma_start3A_261 : memref<80xi32, #tpu.memory_space<vmem>>) semaphore(%arg19 : memref<!tpu.dma_semaphore, #tpu.memory_space<semaphore_mem>>)
      %dma_wait3A_265 = arith.constant 560 : i32
      %dma_wait3A_266 = tpu.memref_slice %arg5[%dma_wait3A_265] : memref<640xi32, #tpu.memory_space<vmem>> -> memref<80xi32, #tpu.memory_space<vmem>>
      %dma_wait3A_267 = arith.constant 0 : i32
      %dma_wait3A_268 = arith.constant 0 : i32
      %dma_wait3A_269 = tpu.memref_slice %arg15[%dma_wait3A_267, %dma_wait3A_268] : memref<1001x128xf32, #tpu.memory_space<vmem_shared>> -> memref<1001x128xf32, #tpu.memory_space<vmem_shared>>
      tpu.wait_indirect_dma semaphore(%arg23 : memref<!tpu.dma_semaphore, #tpu.memory_space<semaphore_mem>>) src(%dma_wait3A_269 : memref<1001x128xf32, #tpu.memory_space<vmem_shared>>) dst(%arg14 : memref<80x128xf32, #tpu.memory_space<vmem>>)
      %add3A_270 = arith.constant 560 : i32
      %add3A_271 = arith.addi %multiple_of3A_59, %add3A_270 : i32
      %multiple_of3A_272 = tpu.assume_multiple %add3A_271, 8 : i32
      %dma_start3A_273 = arith.constant 0 : i32
      %dma_start3A_274 = tpu.memref_slice %arg4[%multiple_of3A_272, %dma_start3A_273] : memref<3276800x128xf32, #tpu.memory_space<hbm>> -> memref<80x128xf32, #tpu.memory_space<hbm>>
      %dma_start3A_275 = arith.constant 0 : i32
      %dma_start3A_276 = tpu.memref_slice %arg4[%multiple_of3A_272, %dma_start3A_275] : memref<3276800x128xf32, #tpu.memory_space<hbm>> -> memref<80x128xf32, #tpu.memory_space<hbm>>
      tpu.enqueue_dma source(%arg14 : memref<80x128xf32, #tpu.memory_space<vmem>>) target(%dma_start3A_276 : memref<80x128xf32, #tpu.memory_space<hbm>>) target_semaphore(%arg31 : memref<!tpu.dma_semaphore, #tpu.memory_space<semaphore_mem>>)
      %add3A_277 = arith.constant 1 : i32
      %add3A_278 = arith.addi %scan3A_55, %add3A_277 : i32
      %lt3A = arith.constant 80 : i32
      %lt3A_279 = arith.cmpi slt, %add3A_278, %lt3A : i32
      %convert_element_type3A_280 = arith.extui %lt3A_279 : i1 to i32
      %cond3A_281 = arith.constant 0 : i32
      %cond3A_282 = arith.cmpi ne, %convert_element_type3A_280, %cond3A_281 : i32
      scf.if %cond3A_282 {
        %add3A_422 = arith.constant 1280 : i32
        %add3A_423 = arith.addi %multiple_of3A_59, %add3A_422 : i32
        %multiple_of3A_424 = tpu.assume_multiple %add3A_423, 8 : i32
        %dma_start3A_425 = tpu.memref_slice %arg2[%multiple_of3A_424] : memref<3276800xi32, #tpu.memory_space<hbm>> -> memref<640xi32, #tpu.memory_space<hbm>>
        %dma_start3A_426 = tpu.memref_slice %arg2[%multiple_of3A_424] : memref<3276800xi32, #tpu.memory_space<hbm>> -> memref<640xi32, #tpu.memory_space<hbm>>
        tpu.enqueue_dma source(%dma_start3A_426 : memref<640xi32, #tpu.memory_space<hbm>>) target(%arg5 : memref<640xi32, #tpu.memory_space<vmem>>) target_semaphore(%arg32 : memref<!tpu.dma_semaphore, #tpu.memory_space<semaphore_mem>>)
      } else {
      }
      %dma_wait3A_283 = arith.constant 0 : i32
      %dma_wait3A_284 = tpu.memref_slice %arg4[%multiple_of3A_209, %dma_wait3A_283] : memref<3276800x128xf32, #tpu.memory_space<hbm>> -> memref<80x128xf32, #tpu.memory_space<hbm>>
      %dma_wait3A_285 = arith.constant 0 : i32
      %dma_wait3A_286 = tpu.memref_slice %arg4[%multiple_of3A_209, %dma_wait3A_285] : memref<3276800x128xf32, #tpu.memory_space<hbm>> -> memref<80x128xf32, #tpu.memory_space<hbm>>
      tpu.wait_dma2 semaphore(%arg28 : memref<!tpu.dma_semaphore, #tpu.memory_space<semaphore_mem>>) src(%arg11 : memref<80x128xf32, #tpu.memory_space<vmem>>) dst(%dma_wait3A_286 : memref<80x128xf32, #tpu.memory_space<hbm>>)
      %dma_start3A_287 = arith.constant 320 : i32
      %dma_start3A_288 = tpu.memref_slice %arg6[%dma_start3A_287] : memref<640xi32, #tpu.memory_space<vmem>> -> memref<80xi32, #tpu.memory_space<vmem>>
      %dma_start3A_289 = arith.constant 0 : i32
      %dma_start3A_290 = arith.constant 0 : i32
      %dma_start3A_291 = tpu.memref_slice %arg15[%dma_start3A_289, %dma_start3A_290] : memref<1001x128xf32, #tpu.memory_space<vmem_shared>> -> memref<1001x128xf32, #tpu.memory_space<vmem_shared>>
      tpu.enqueue_indirect_dma source(%dma_start3A_291 : memref<1001x128xf32, #tpu.memory_space<vmem_shared>>) target(%arg11 : memref<80x128xf32, #tpu.memory_space<vmem>>) offsets(%dma_start3A_288 : memref<80xi32, #tpu.memory_space<vmem>>) semaphore(%arg20 : memref<!tpu.dma_semaphore, #tpu.memory_space<semaphore_mem>>)
      %dma_wait3A_292 = arith.constant 0 : i32
      %dma_wait3A_293 = tpu.memref_slice %arg6[%dma_wait3A_292] : memref<640xi32, #tpu.memory_space<vmem>> -> memref<80xi32, #tpu.memory_space<vmem>>
      %dma_wait3A_294 = arith.constant 0 : i32
      %dma_wait3A_295 = arith.constant 0 : i32
      %dma_wait3A_296 = tpu.memref_slice %arg15[%dma_wait3A_294, %dma_wait3A_295] : memref<1001x128xf32, #tpu.memory_space<vmem_shared>> -> memref<1001x128xf32, #tpu.memory_space<vmem_shared>>
      tpu.wait_indirect_dma semaphore(%arg16 : memref<!tpu.dma_semaphore, #tpu.memory_space<semaphore_mem>>) src(%dma_wait3A_296 : memref<1001x128xf32, #tpu.memory_space<vmem_shared>>) dst(%arg7 : memref<80x128xf32, #tpu.memory_space<vmem>>)
      %add3A_297 = arith.constant 640 : i32
      %add3A_298 = arith.addi %multiple_of3A_59, %add3A_297 : i32
      %multiple_of3A_299 = tpu.assume_multiple %add3A_298, 8 : i32
      %dma_start3A_300 = arith.constant 0 : i32
      %dma_start3A_301 = tpu.memref_slice %arg4[%multiple_of3A_299, %dma_start3A_300] : memref<3276800x128xf32, #tpu.memory_space<hbm>> -> memref<80x128xf32, #tpu.memory_space<hbm>>
      %dma_start3A_302 = arith.constant 0 : i32
      %dma_start3A_303 = tpu.memref_slice %arg4[%multiple_of3A_299, %dma_start3A_302] : memref<3276800x128xf32, #tpu.memory_space<hbm>> -> memref<80x128xf32, #tpu.memory_space<hbm>>
      tpu.enqueue_dma source(%arg7 : memref<80x128xf32, #tpu.memory_space<vmem>>) target(%dma_start3A_303 : memref<80x128xf32, #tpu.memory_space<hbm>>) target_semaphore(%arg24 : memref<!tpu.dma_semaphore, #tpu.memory_space<semaphore_mem>>)
      %dma_wait3A_304 = arith.constant 0 : i32
      %dma_wait3A_305 = tpu.memref_slice %arg4[%multiple_of3A_230, %dma_wait3A_304] : memref<3276800x128xf32, #tpu.memory_space<hbm>> -> memref<80x128xf32, #tpu.memory_space<hbm>>
      %dma_wait3A_306 = arith.constant 0 : i32
      %dma_wait3A_307 = tpu.memref_slice %arg4[%multiple_of3A_230, %dma_wait3A_306] : memref<3276800x128xf32, #tpu.memory_space<hbm>> -> memref<80x128xf32, #tpu.memory_space<hbm>>
      tpu.wait_dma2 semaphore(%arg29 : memref<!tpu.dma_semaphore, #tpu.memory_space<semaphore_mem>>) src(%arg12 : memref<80x128xf32, #tpu.memory_space<vmem>>) dst(%dma_wait3A_307 : memref<80x128xf32, #tpu.memory_space<hbm>>)
      %dma_start3A_308 = arith.constant 400 : i32
      %dma_start3A_309 = tpu.memref_slice %arg6[%dma_start3A_308] : memref<640xi32, #tpu.memory_space<vmem>> -> memref<80xi32, #tpu.memory_space<vmem>>
      %dma_start3A_310 = arith.constant 0 : i32
      %dma_start3A_311 = arith.constant 0 : i32
      %dma_start3A_312 = tpu.memref_slice %arg15[%dma_start3A_310, %dma_start3A_311] : memref<1001x128xf32, #tpu.memory_space<vmem_shared>> -> memref<1001x128xf32, #tpu.memory_space<vmem_shared>>
      tpu.enqueue_indirect_dma source(%dma_start3A_312 : memref<1001x128xf32, #tpu.memory_space<vmem_shared>>) target(%arg12 : memref<80x128xf32, #tpu.memory_space<vmem>>) offsets(%dma_start3A_309 : memref<80xi32, #tpu.memory_space<vmem>>) semaphore(%arg21 : memref<!tpu.dma_semaphore, #tpu.memory_space<semaphore_mem>>)
      %dma_wait3A_313 = arith.constant 80 : i32
      %dma_wait3A_314 = tpu.memref_slice %arg6[%dma_wait3A_313] : memref<640xi32, #tpu.memory_space<vmem>> -> memref<80xi32, #tpu.memory_space<vmem>>
      %dma_wait3A_315 = arith.constant 0 : i32
      %dma_wait3A_316 = arith.constant 0 : i32
      %dma_wait3A_317 = tpu.memref_slice %arg15[%dma_wait3A_315, %dma_wait3A_316] : memref<1001x128xf32, #tpu.memory_space<vmem_shared>> -> memref<1001x128xf32, #tpu.memory_space<vmem_shared>>
      tpu.wait_indirect_dma semaphore(%arg17 : memref<!tpu.dma_semaphore, #tpu.memory_space<semaphore_mem>>) src(%dma_wait3A_317 : memref<1001x128xf32, #tpu.memory_space<vmem_shared>>) dst(%arg8 : memref<80x128xf32, #tpu.memory_space<vmem>>)
      %add3A_318 = arith.constant 720 : i32
      %add3A_319 = arith.addi %multiple_of3A_59, %add3A_318 : i32
      %multiple_of3A_320 = tpu.assume_multiple %add3A_319, 8 : i32
      %dma_start3A_321 = arith.constant 0 : i32
      %dma_start3A_322 = tpu.memref_slice %arg4[%multiple_of3A_320, %dma_start3A_321] : memref<3276800x128xf32, #tpu.memory_space<hbm>> -> memref<80x128xf32, #tpu.memory_space<hbm>>
      %dma_start3A_323 = arith.constant 0 : i32
      %dma_start3A_324 = tpu.memref_slice %arg4[%multiple_of3A_320, %dma_start3A_323] : memref<3276800x128xf32, #tpu.memory_space<hbm>> -> memref<80x128xf32, #tpu.memory_space<hbm>>
      tpu.enqueue_dma source(%arg8 : memref<80x128xf32, #tpu.memory_space<vmem>>) target(%dma_start3A_324 : memref<80x128xf32, #tpu.memory_space<hbm>>) target_semaphore(%arg25 : memref<!tpu.dma_semaphore, #tpu.memory_space<semaphore_mem>>)
      %dma_wait3A_325 = arith.constant 0 : i32
      %dma_wait3A_326 = tpu.memref_slice %arg4[%multiple_of3A_251, %dma_wait3A_325] : memref<3276800x128xf32, #tpu.memory_space<hbm>> -> memref<80x128xf32, #tpu.memory_space<hbm>>
      %dma_wait3A_327 = arith.constant 0 : i32
      %dma_wait3A_328 = tpu.memref_slice %arg4[%multiple_of3A_251, %dma_wait3A_327] : memref<3276800x128xf32, #tpu.memory_space<hbm>> -> memref<80x128xf32, #tpu.memory_space<hbm>>
      tpu.wait_dma2 semaphore(%arg30 : memref<!tpu.dma_semaphore, #tpu.memory_space<semaphore_mem>>) src(%arg13 : memref<80x128xf32, #tpu.memory_space<vmem>>) dst(%dma_wait3A_328 : memref<80x128xf32, #tpu.memory_space<hbm>>)
      %dma_start3A_329 = arith.constant 480 : i32
      %dma_start3A_330 = tpu.memref_slice %arg6[%dma_start3A_329] : memref<640xi32, #tpu.memory_space<vmem>> -> memref<80xi32, #tpu.memory_space<vmem>>
      %dma_start3A_331 = arith.constant 0 : i32
      %dma_start3A_332 = arith.constant 0 : i32
      %dma_start3A_333 = tpu.memref_slice %arg15[%dma_start3A_331, %dma_start3A_332] : memref<1001x128xf32, #tpu.memory_space<vmem_shared>> -> memref<1001x128xf32, #tpu.memory_space<vmem_shared>>
      tpu.enqueue_indirect_dma source(%dma_start3A_333 : memref<1001x128xf32, #tpu.memory_space<vmem_shared>>) target(%arg13 : memref<80x128xf32, #tpu.memory_space<vmem>>) offsets(%dma_start3A_330 : memref<80xi32, #tpu.memory_space<vmem>>) semaphore(%arg22 : memref<!tpu.dma_semaphore, #tpu.memory_space<semaphore_mem>>)
      %dma_wait3A_334 = arith.constant 160 : i32
      %dma_wait3A_335 = tpu.memref_slice %arg6[%dma_wait3A_334] : memref<640xi32, #tpu.memory_space<vmem>> -> memref<80xi32, #tpu.memory_space<vmem>>
      %dma_wait3A_336 = arith.constant 0 : i32
      %dma_wait3A_337 = arith.constant 0 : i32
      %dma_wait3A_338 = tpu.memref_slice %arg15[%dma_wait3A_336, %dma_wait3A_337] : memref<1001x128xf32, #tpu.memory_space<vmem_shared>> -> memref<1001x128xf32, #tpu.memory_space<vmem_shared>>
      tpu.wait_indirect_dma semaphore(%arg18 : memref<!tpu.dma_semaphore, #tpu.memory_space<semaphore_mem>>) src(%dma_wait3A_338 : memref<1001x128xf32, #tpu.memory_space<vmem_shared>>) dst(%arg9 : memref<80x128xf32, #tpu.memory_space<vmem>>)
      %add3A_339 = arith.constant 800 : i32
      %add3A_340 = arith.addi %multiple_of3A_59, %add3A_339 : i32
      %multiple_of3A_341 = tpu.assume_multiple %add3A_340, 8 : i32
      %dma_start3A_342 = arith.constant 0 : i32
      %dma_start3A_343 = tpu.memref_slice %arg4[%multiple_of3A_341, %dma_start3A_342] : memref<3276800x128xf32, #tpu.memory_space<hbm>> -> memref<80x128xf32, #tpu.memory_space<hbm>>
      %dma_start3A_344 = arith.constant 0 : i32
      %dma_start3A_345 = tpu.memref_slice %arg4[%multiple_of3A_341, %dma_start3A_344] : memref<3276800x128xf32, #tpu.memory_space<hbm>> -> memref<80x128xf32, #tpu.memory_space<hbm>>
      tpu.enqueue_dma source(%arg9 : memref<80x128xf32, #tpu.memory_space<vmem>>) target(%dma_start3A_345 : memref<80x128xf32, #tpu.memory_space<hbm>>) target_semaphore(%arg26 : memref<!tpu.dma_semaphore, #tpu.memory_space<semaphore_mem>>)
      %dma_wait3A_346 = arith.constant 0 : i32
      %dma_wait3A_347 = tpu.memref_slice %arg4[%multiple_of3A_272, %dma_wait3A_346] : memref<3276800x128xf32, #tpu.memory_space<hbm>> -> memref<80x128xf32, #tpu.memory_space<hbm>>
      %dma_wait3A_348 = arith.constant 0 : i32
      %dma_wait3A_349 = tpu.memref_slice %arg4[%multiple_of3A_272, %dma_wait3A_348] : memref<3276800x128xf32, #tpu.memory_space<hbm>> -> memref<80x128xf32, #tpu.memory_space<hbm>>
      tpu.wait_dma2 semaphore(%arg31 : memref<!tpu.dma_semaphore, #tpu.memory_space<semaphore_mem>>) src(%arg14 : memref<80x128xf32, #tpu.memory_space<vmem>>) dst(%dma_wait3A_349 : memref<80x128xf32, #tpu.memory_space<hbm>>)
      %dma_start3A_350 = arith.constant 560 : i32
      %dma_start3A_351 = tpu.memref_slice %arg6[%dma_start3A_350] : memref<640xi32, #tpu.memory_space<vmem>> -> memref<80xi32, #tpu.memory_space<vmem>>
      %dma_start3A_352 = arith.constant 0 : i32
      %dma_start3A_353 = arith.constant 0 : i32
      %dma_start3A_354 = tpu.memref_slice %arg15[%dma_start3A_352, %dma_start3A_353] : memref<1001x128xf32, #tpu.memory_space<vmem_shared>> -> memref<1001x128xf32, #tpu.memory_space<vmem_shared>>
      tpu.enqueue_indirect_dma source(%dma_start3A_354 : memref<1001x128xf32, #tpu.memory_space<vmem_shared>>) target(%arg14 : memref<80x128xf32, #tpu.memory_space<vmem>>) offsets(%dma_start3A_351 : memref<80xi32, #tpu.memory_space<vmem>>) semaphore(%arg23 : memref<!tpu.dma_semaphore, #tpu.memory_space<semaphore_mem>>)
      %dma_wait3A_355 = arith.constant 240 : i32
      %dma_wait3A_356 = tpu.memref_slice %arg6[%dma_wait3A_355] : memref<640xi32, #tpu.memory_space<vmem>> -> memref<80xi32, #tpu.memory_space<vmem>>
      %dma_wait3A_357 = arith.constant 0 : i32
      %dma_wait3A_358 = arith.constant 0 : i32
      %dma_wait3A_359 = tpu.memref_slice %arg15[%dma_wait3A_357, %dma_wait3A_358] : memref<1001x128xf32, #tpu.memory_space<vmem_shared>> -> memref<1001x128xf32, #tpu.memory_space<vmem_shared>>
      tpu.wait_indirect_dma semaphore(%arg19 : memref<!tpu.dma_semaphore, #tpu.memory_space<semaphore_mem>>) src(%dma_wait3A_359 : memref<1001x128xf32, #tpu.memory_space<vmem_shared>>) dst(%arg10 : memref<80x128xf32, #tpu.memory_space<vmem>>)
      %add3A_360 = arith.constant 880 : i32
      %add3A_361 = arith.addi %multiple_of3A_59, %add3A_360 : i32
      %multiple_of3A_362 = tpu.assume_multiple %add3A_361, 8 : i32
      %dma_start3A_363 = arith.constant 0 : i32
      %dma_start3A_364 = tpu.memref_slice %arg4[%multiple_of3A_362, %dma_start3A_363] : memref<3276800x128xf32, #tpu.memory_space<hbm>> -> memref<80x128xf32, #tpu.memory_space<hbm>>
      %dma_start3A_365 = arith.constant 0 : i32
      %dma_start3A_366 = tpu.memref_slice %arg4[%multiple_of3A_362, %dma_start3A_365] : memref<3276800x128xf32, #tpu.memory_space<hbm>> -> memref<80x128xf32, #tpu.memory_space<hbm>>
      tpu.enqueue_dma source(%arg10 : memref<80x128xf32, #tpu.memory_space<vmem>>) target(%dma_start3A_366 : memref<80x128xf32, #tpu.memory_space<hbm>>) target_semaphore(%arg27 : memref<!tpu.dma_semaphore, #tpu.memory_space<semaphore_mem>>)
      %dma_wait3A_367 = arith.constant 320 : i32
      %dma_wait3A_368 = tpu.memref_slice %arg6[%dma_wait3A_367] : memref<640xi32, #tpu.memory_space<vmem>> -> memref<80xi32, #tpu.memory_space<vmem>>
      %dma_wait3A_369 = arith.constant 0 : i32
      %dma_wait3A_370 = arith.constant 0 : i32
      %dma_wait3A_371 = tpu.memref_slice %arg15[%dma_wait3A_369, %dma_wait3A_370] : memref<1001x128xf32, #tpu.memory_space<vmem_shared>> -> memref<1001x128xf32, #tpu.memory_space<vmem_shared>>
      tpu.wait_indirect_dma semaphore(%arg20 : memref<!tpu.dma_semaphore, #tpu.memory_space<semaphore_mem>>) src(%dma_wait3A_371 : memref<1001x128xf32, #tpu.memory_space<vmem_shared>>) dst(%arg11 : memref<80x128xf32, #tpu.memory_space<vmem>>)
      %add3A_372 = arith.constant 960 : i32
      %add3A_373 = arith.addi %multiple_of3A_59, %add3A_372 : i32
      %multiple_of3A_374 = tpu.assume_multiple %add3A_373, 8 : i32
      %dma_start3A_375 = arith.constant 0 : i32
      %dma_start3A_376 = tpu.memref_slice %arg4[%multiple_of3A_374, %dma_start3A_375] : memref<3276800x128xf32, #tpu.memory_space<hbm>> -> memref<80x128xf32, #tpu.memory_space<hbm>>
      %dma_start3A_377 = arith.constant 0 : i32
      %dma_start3A_378 = tpu.memref_slice %arg4[%multiple_of3A_374, %dma_start3A_377] : memref<3276800x128xf32, #tpu.memory_space<hbm>> -> memref<80x128xf32, #tpu.memory_space<hbm>>
      tpu.enqueue_dma source(%arg11 : memref<80x128xf32, #tpu.memory_space<vmem>>) target(%dma_start3A_378 : memref<80x128xf32, #tpu.memory_space<hbm>>) target_semaphore(%arg28 : memref<!tpu.dma_semaphore, #tpu.memory_space<semaphore_mem>>)
      %dma_wait3A_379 = arith.constant 400 : i32
      %dma_wait3A_380 = tpu.memref_slice %arg6[%dma_wait3A_379] : memref<640xi32, #tpu.memory_space<vmem>> -> memref<80xi32, #tpu.memory_space<vmem>>
      %dma_wait3A_381 = arith.constant 0 : i32
      %dma_wait3A_382 = arith.constant 0 : i32
      %dma_wait3A_383 = tpu.memref_slice %arg15[%dma_wait3A_381, %dma_wait3A_382] : memref<1001x128xf32, #tpu.memory_space<vmem_shared>> -> memref<1001x128xf32, #tpu.memory_space<vmem_shared>>
      tpu.wait_indirect_dma semaphore(%arg21 : memref<!tpu.dma_semaphore, #tpu.memory_space<semaphore_mem>>) src(%dma_wait3A_383 : memref<1001x128xf32, #tpu.memory_space<vmem_shared>>) dst(%arg12 : memref<80x128xf32, #tpu.memory_space<vmem>>)
      %add3A_384 = arith.constant 1040 : i32
      %add3A_385 = arith.addi %multiple_of3A_59, %add3A_384 : i32
      %multiple_of3A_386 = tpu.assume_multiple %add3A_385, 8 : i32
      %dma_start3A_387 = arith.constant 0 : i32
      %dma_start3A_388 = tpu.memref_slice %arg4[%multiple_of3A_386, %dma_start3A_387] : memref<3276800x128xf32, #tpu.memory_space<hbm>> -> memref<80x128xf32, #tpu.memory_space<hbm>>
      %dma_start3A_389 = arith.constant 0 : i32
      %dma_start3A_390 = tpu.memref_slice %arg4[%multiple_of3A_386, %dma_start3A_389] : memref<3276800x128xf32, #tpu.memory_space<hbm>> -> memref<80x128xf32, #tpu.memory_space<hbm>>
      tpu.enqueue_dma source(%arg12 : memref<80x128xf32, #tpu.memory_space<vmem>>) target(%dma_start3A_390 : memref<80x128xf32, #tpu.memory_space<hbm>>) target_semaphore(%arg29 : memref<!tpu.dma_semaphore, #tpu.memory_space<semaphore_mem>>)
      %dma_wait3A_391 = arith.constant 480 : i32
      %dma_wait3A_392 = tpu.memref_slice %arg6[%dma_wait3A_391] : memref<640xi32, #tpu.memory_space<vmem>> -> memref<80xi32, #tpu.memory_space<vmem>>
      %dma_wait3A_393 = arith.constant 0 : i32
      %dma_wait3A_394 = arith.constant 0 : i32
      %dma_wait3A_395 = tpu.memref_slice %arg15[%dma_wait3A_393, %dma_wait3A_394] : memref<1001x128xf32, #tpu.memory_space<vmem_shared>> -> memref<1001x128xf32, #tpu.memory_space<vmem_shared>>
      tpu.wait_indirect_dma semaphore(%arg22 : memref<!tpu.dma_semaphore, #tpu.memory_space<semaphore_mem>>) src(%dma_wait3A_395 : memref<1001x128xf32, #tpu.memory_space<vmem_shared>>) dst(%arg13 : memref<80x128xf32, #tpu.memory_space<vmem>>)
      %add3A_396 = arith.constant 1120 : i32
      %add3A_397 = arith.addi %multiple_of3A_59, %add3A_396 : i32
      %multiple_of3A_398 = tpu.assume_multiple %add3A_397, 8 : i32
      %dma_start3A_399 = arith.constant 0 : i32
      %dma_start3A_400 = tpu.memref_slice %arg4[%multiple_of3A_398, %dma_start3A_399] : memref<3276800x128xf32, #tpu.memory_space<hbm>> -> memref<80x128xf32, #tpu.memory_space<hbm>>
      %dma_start3A_401 = arith.constant 0 : i32
      %dma_start3A_402 = tpu.memref_slice %arg4[%multiple_of3A_398, %dma_start3A_401] : memref<3276800x128xf32, #tpu.memory_space<hbm>> -> memref<80x128xf32, #tpu.memory_space<hbm>>
      tpu.enqueue_dma source(%arg13 : memref<80x128xf32, #tpu.memory_space<vmem>>) target(%dma_start3A_402 : memref<80x128xf32, #tpu.memory_space<hbm>>) target_semaphore(%arg30 : memref<!tpu.dma_semaphore, #tpu.memory_space<semaphore_mem>>)
      %dma_wait3A_403 = arith.constant 560 : i32
      %dma_wait3A_404 = tpu.memref_slice %arg6[%dma_wait3A_403] : memref<640xi32, #tpu.memory_space<vmem>> -> memref<80xi32, #tpu.memory_space<vmem>>
      %dma_wait3A_405 = arith.constant 0 : i32
      %dma_wait3A_406 = arith.constant 0 : i32
      %dma_wait3A_407 = tpu.memref_slice %arg15[%dma_wait3A_405, %dma_wait3A_406] : memref<1001x128xf32, #tpu.memory_space<vmem_shared>> -> memref<1001x128xf32, #tpu.memory_space<vmem_shared>>
      tpu.wait_indirect_dma semaphore(%arg23 : memref<!tpu.dma_semaphore, #tpu.memory_space<semaphore_mem>>) src(%dma_wait3A_407 : memref<1001x128xf32, #tpu.memory_space<vmem_shared>>) dst(%arg14 : memref<80x128xf32, #tpu.memory_space<vmem>>)
      %add3A_408 = arith.constant 1200 : i32
      %add3A_409 = arith.addi %multiple_of3A_59, %add3A_408 : i32
      %multiple_of3A_410 = tpu.assume_multiple %add3A_409, 8 : i32
      %dma_start3A_411 = arith.constant 0 : i32
      %dma_start3A_412 = tpu.memref_slice %arg4[%multiple_of3A_410, %dma_start3A_411] : memref<3276800x128xf32, #tpu.memory_space<hbm>> -> memref<80x128xf32, #tpu.memory_space<hbm>>
      %dma_start3A_413 = arith.constant 0 : i32
      %dma_start3A_414 = tpu.memref_slice %arg4[%multiple_of3A_410, %dma_start3A_413] : memref<3276800x128xf32, #tpu.memory_space<hbm>> -> memref<80x128xf32, #tpu.memory_space<hbm>>
      tpu.enqueue_dma source(%arg14 : memref<80x128xf32, #tpu.memory_space<vmem>>) target(%dma_start3A_414 : memref<80x128xf32, #tpu.memory_space<hbm>>) target_semaphore(%arg31 : memref<!tpu.dma_semaphore, #tpu.memory_space<semaphore_mem>>)
      %add3A_415 = arith.constant 1 : i32
      %add3A_416 = arith.addi %scan3A_55, %add3A_415 : i32
      %lt3A_417 = arith.constant 80 : i32
      %lt3A_418 = arith.cmpi slt, %add3A_416, %lt3A_417 : i32
      %convert_element_type3A_419 = arith.extui %lt3A_418 : i1 to i32
      %cond3A_420 = arith.constant 0 : i32
      %cond3A_421 = arith.cmpi ne, %convert_element_type3A_419, %cond3A_420 : i32
      scf.if %cond3A_421 {
        %add3A_422 = arith.constant 1280 : i32
        %add3A_423 = arith.addi %multiple_of3A_59, %add3A_422 : i32
        %add3A_424 = arith.constant 640 : i32
        %add3A_425 = arith.addi %add3A_423, %add3A_424 : i32
        %multiple_of3A_426 = tpu.assume_multiple %add3A_425, 8 : i32
        %dma_start3A_427 = tpu.memref_slice %arg2[%multiple_of3A_426] : memref<3276800xi32, #tpu.memory_space<hbm>> -> memref<640xi32, #tpu.memory_space<hbm>>
        %dma_start3A_428 = tpu.memref_slice %arg2[%multiple_of3A_426] : memref<3276800xi32, #tpu.memory_space<hbm>> -> memref<640xi32, #tpu.memory_space<hbm>>
        tpu.enqueue_dma source(%dma_start3A_428 : memref<640xi32, #tpu.memory_space<hbm>>) target(%arg6 : memref<640xi32, #tpu.memory_space<vmem>>) target_semaphore(%arg33 : memref<!tpu.dma_semaphore, #tpu.memory_space<semaphore_mem>>)
      } else {
      }
    }
    %scan3A_15 = arith.constant 80 : i32
    %multiple_of3A_16 = tpu.assume_multiple %mul3A_2, 8 : i32
    %dma_wait3A = arith.constant 0 : i32
    %dma_wait3A_17 = tpu.memref_slice %arg4[%multiple_of3A_16, %dma_wait3A] : memref<3276800x128xf32, #tpu.memory_space<hbm>> -> memref<80x128xf32, #tpu.memory_space<hbm>>
    %dma_wait3A_18 = arith.constant 0 : i32
    %dma_wait3A_19 = tpu.memref_slice %arg4[%multiple_of3A_16, %dma_wait3A_18] : memref<3276800x128xf32, #tpu.memory_space<hbm>> -> memref<80x128xf32, #tpu.memory_space<hbm>>
    tpu.wait_dma2 semaphore(%arg24 : memref<!tpu.dma_semaphore, #tpu.memory_space<semaphore_mem>>) src(%arg7 : memref<80x128xf32, #tpu.memory_space<vmem>>) dst(%dma_wait3A_19 : memref<80x128xf32, #tpu.memory_space<hbm>>)
    %multiple_of3A_20 = tpu.assume_multiple %mul3A_2, 8 : i32
    %dma_wait3A_21 = arith.constant 0 : i32
    %dma_wait3A_22 = tpu.memref_slice %arg4[%multiple_of3A_20, %dma_wait3A_21] : memref<3276800x128xf32, #tpu.memory_space<hbm>> -> memref<80x128xf32, #tpu.memory_space<hbm>>
    %dma_wait3A_23 = arith.constant 0 : i32
    %dma_wait3A_24 = tpu.memref_slice %arg4[%multiple_of3A_20, %dma_wait3A_23] : memref<3276800x128xf32, #tpu.memory_space<hbm>> -> memref<80x128xf32, #tpu.memory_space<hbm>>
    tpu.wait_dma2 semaphore(%arg25 : memref<!tpu.dma_semaphore, #tpu.memory_space<semaphore_mem>>) src(%arg8 : memref<80x128xf32, #tpu.memory_space<vmem>>) dst(%dma_wait3A_24 : memref<80x128xf32, #tpu.memory_space<hbm>>)
    %multiple_of3A_25 = tpu.assume_multiple %mul3A_2, 8 : i32
    %dma_wait3A_26 = arith.constant 0 : i32
    %dma_wait3A_27 = tpu.memref_slice %arg4[%multiple_of3A_25, %dma_wait3A_26] : memref<3276800x128xf32, #tpu.memory_space<hbm>> -> memref<80x128xf32, #tpu.memory_space<hbm>>
    %dma_wait3A_28 = arith.constant 0 : i32
    %dma_wait3A_29 = tpu.memref_slice %arg4[%multiple_of3A_25, %dma_wait3A_28] : memref<3276800x128xf32, #tpu.memory_space<hbm>> -> memref<80x128xf32, #tpu.memory_space<hbm>>
    tpu.wait_dma2 semaphore(%arg26 : memref<!tpu.dma_semaphore, #tpu.memory_space<semaphore_mem>>) src(%arg9 : memref<80x128xf32, #tpu.memory_space<vmem>>) dst(%dma_wait3A_29 : memref<80x128xf32, #tpu.memory_space<hbm>>)
    %multiple_of3A_30 = tpu.assume_multiple %mul3A_2, 8 : i32
    %dma_wait3A_31 = arith.constant 0 : i32
    %dma_wait3A_32 = tpu.memref_slice %arg4[%multiple_of3A_30, %dma_wait3A_31] : memref<3276800x128xf32, #tpu.memory_space<hbm>> -> memref<80x128xf32, #tpu.memory_space<hbm>>
    %dma_wait3A_33 = arith.constant 0 : i32
    %dma_wait3A_34 = tpu.memref_slice %arg4[%multiple_of3A_30, %dma_wait3A_33] : memref<3276800x128xf32, #tpu.memory_space<hbm>> -> memref<80x128xf32, #tpu.memory_space<hbm>>
    tpu.wait_dma2 semaphore(%arg27 : memref<!tpu.dma_semaphore, #tpu.memory_space<semaphore_mem>>) src(%arg10 : memref<80x128xf32, #tpu.memory_space<vmem>>) dst(%dma_wait3A_34 : memref<80x128xf32, #tpu.memory_space<hbm>>)
    %multiple_of3A_35 = tpu.assume_multiple %mul3A_2, 8 : i32
    %dma_wait3A_36 = arith.constant 0 : i32
    %dma_wait3A_37 = tpu.memref_slice %arg4[%multiple_of3A_35, %dma_wait3A_36] : memref<3276800x128xf32, #tpu.memory_space<hbm>> -> memref<80x128xf32, #tpu.memory_space<hbm>>
    %dma_wait3A_38 = arith.constant 0 : i32
    %dma_wait3A_39 = tpu.memref_slice %arg4[%multiple_of3A_35, %dma_wait3A_38] : memref<3276800x128xf32, #tpu.memory_space<hbm>> -> memref<80x128xf32, #tpu.memory_space<hbm>>
    tpu.wait_dma2 semaphore(%arg28 : memref<!tpu.dma_semaphore, #tpu.memory_space<semaphore_mem>>) src(%arg11 : memref<80x128xf32, #tpu.memory_space<vmem>>) dst(%dma_wait3A_39 : memref<80x128xf32, #tpu.memory_space<hbm>>)
    %multiple_of3A_40 = tpu.assume_multiple %mul3A_2, 8 : i32
    %dma_wait3A_41 = arith.constant 0 : i32
    %dma_wait3A_42 = tpu.memref_slice %arg4[%multiple_of3A_40, %dma_wait3A_41] : memref<3276800x128xf32, #tpu.memory_space<hbm>> -> memref<80x128xf32, #tpu.memory_space<hbm>>
    %dma_wait3A_43 = arith.constant 0 : i32
    %dma_wait3A_44 = tpu.memref_slice %arg4[%multiple_of3A_40, %dma_wait3A_43] : memref<3276800x128xf32, #tpu.memory_space<hbm>> -> memref<80x128xf32, #tpu.memory_space<hbm>>
    tpu.wait_dma2 semaphore(%arg29 : memref<!tpu.dma_semaphore, #tpu.memory_space<semaphore_mem>>) src(%arg12 : memref<80x128xf32, #tpu.memory_space<vmem>>) dst(%dma_wait3A_44 : memref<80x128xf32, #tpu.memory_space<hbm>>)
    %multiple_of3A_45 = tpu.assume_multiple %mul3A_2, 8 : i32
    %dma_wait3A_46 = arith.constant 0 : i32
    %dma_wait3A_47 = tpu.memref_slice %arg4[%multiple_of3A_45, %dma_wait3A_46] : memref<3276800x128xf32, #tpu.memory_space<hbm>> -> memref<80x128xf32, #tpu.memory_space<hbm>>
    %dma_wait3A_48 = arith.constant 0 : i32
    %dma_wait3A_49 = tpu.memref_slice %arg4[%multiple_of3A_45, %dma_wait3A_48] : memref<3276800x128xf32, #tpu.memory_space<hbm>> -> memref<80x128xf32, #tpu.memory_space<hbm>>
    tpu.wait_dma2 semaphore(%arg30 : memref<!tpu.dma_semaphore, #tpu.memory_space<semaphore_mem>>) src(%arg13 : memref<80x128xf32, #tpu.memory_space<vmem>>) dst(%dma_wait3A_49 : memref<80x128xf32, #tpu.memory_space<hbm>>)
    %multiple_of3A_50 = tpu.assume_multiple %mul3A_2, 8 : i32
    %dma_wait3A_51 = arith.constant 0 : i32
    %dma_wait3A_52 = tpu.memref_slice %arg4[%multiple_of3A_50, %dma_wait3A_51] : memref<3276800x128xf32, #tpu.memory_space<hbm>> -> memref<80x128xf32, #tpu.memory_space<hbm>>
    %dma_wait3A_53 = arith.constant 0 : i32
    %dma_wait3A_54 = tpu.memref_slice %arg4[%multiple_of3A_50, %dma_wait3A_53] : memref<3276800x128xf32, #tpu.memory_space<hbm>> -> memref<80x128xf32, #tpu.memory_space<hbm>>
    tpu.wait_dma2 semaphore(%arg31 : memref<!tpu.dma_semaphore, #tpu.memory_space<semaphore_mem>>) src(%arg14 : memref<80x128xf32, #tpu.memory_space<vmem>>) dst(%dma_wait3A_54 : memref<80x128xf32, #tpu.memory_space<hbm>>)
    return
  }
}

</mosaic_0001>

<sc_bundles>
// kernel: kernel.3.cloned.1.call-start
scs
__scs_entry_jumppad:
0x0: {  	(pc) =	sbr.rel $0x88, $3  }
0x1: {  	(tag) =	ssettag $0x0;
	lr =	simm.s32 $0x1  }
0x2: {  	[smem:$0x3F9F] =	sst lr;
	_ =	strace $0xD0000000  }
0x3: {  	_ = 	snop  }
0x4: {  	_ = 	snop  }
0x5: {  	_ = 	snop  }
0x6: {  	_ = 	snop  }
0x7: {  	_ = 	snop  }
__scs_overlays_trampoline_lowered:
0x8: {  	[smem:$0x3FAE] =	sst s0  }
0x9: {  	[smem:$0x3FAF] =	sst s1  }
0xa: {  	[smem:$0x3FB0] =	sst s2  }
0xb: {  	[smem:$0x3FB1] =	sst s3  }
0xc: {  	[smem:$0x3FB2] =	sst s4  }
0xd: {  	[smem:$0x3FB3] =	sst s5  }
0xe: {  	[smem:$0x3FB4] =	sst s6  }
0xf: {  	[smem:$0x3FB5] =	sst s7  }
0x10: {  	[smem:$0x3FB6] =	sst s8  }
0x11: {  	[smem:$0x3FB7] =	sst s9;
	s0 =	simm.s32 @!p0 $0x0  }
0x12: {  	s1 =	sld [smem:$0x3F9D];
	s0 =	simm.s32 @p0 $0x1  }
0x13: {  	[smem:$0x3FB8] =	sst s0;
	s0 =	simm.s32 @!p1 $0x0  }
0x14: {  	s2 =	sld [smem:$0x3F9C];
	s0 =	simm.s32 @p1 $0x1  }
0x15: {  	[smem:$0x3FB9] =	sst s0;
	s0 =	simm.s32 @!p2 $0x0  }
0x16: {  	s3 =	sld [smem:$0x3FDB];
	s0 =	simm.s32 @p2 $0x1  }
0x17: {  	s4 =	simm.s32 $0x1BF5;
	[smem:$0x3FBB] =	sst s0  }
0x18: {  	s0 =	sld [smem:$0x3F9E];
	_ =	swait.ge [sflag:s4], $0x0  }
0x19: {  	s7 =	sld [smem:$0x3F9F]  }
0x1a: {  	s8 =	sadd.s32 $0xFFFFE003, lr  }
0x1b: {  	s9 =	sadd.s32 $0xFFFFFEF7, lr;
	s5 =	simm.s32 $0xFFFFFFFF;
	p2 =	slt.u32 s8, $0xFFFFF086  }
0x1c: {  	p1 =	slt.u32 s9, $0xF7A;
	s5 =	simm.s32 @!p2 $0x0  }
0x1d: {  	s5 =	simm.s32 @p1 $0x1;
	p0 =	seq.s32 s7, s2  }
0x1e: {  	s7 =	smul.u32 @!p0 $0xF7A, s2;
	p2 =	seq.s32 @!p0 s5, $0x0  }
0x1f: {  	s9 =	smul.u32 $0xF7A, s1;
	s8 =	simm.s32 @!p0 $0x1BF5;
	p2 =	por !p2, p0  }
0x20: {  	[sflag:s8] =	ssyncset.s32 @!p0 $0xFFFFF086;
	s6 =	sadd.s32 @!p0 s3, s7;
	s7 =	simm.s32 @!p0 $0x108  }
0x21: {  	s3 =	sadd.s32 s3, s9;
	s6 =	sadd.s32 @!p0 $0x88, s6;
	s7 =	simm.s32 @p2 $0x1082  }
0x22: {  	[simem:s7], [sflag:s8] =	dma.local @!p0 [hbm:s6], $0xF7A  }
0x23: {  	s9 =	sor.u32 $0xD0000000, s2;
	s6 =	simm.s32 $0x108;
	_ =	swait.ge @!p0 [sflag:s8], $0x0  }
0x24: {  	s3 =	sadd.s32 $0x88, s3;
	s6 =	simm.s32 @!p1 $0x1082;
	[sflag:s4] =	ssyncset.s32 $0xFFFFF086  }
0x25: {  	[simem:s6], [sflag:s4] =	dma.local [hbm:s3], $0xF7A  }
0x26: {  	[smem:$0x3F9F] =	sst s1;
	(tag) =	ssettag s2;
	_ =	strace s9  }
0x27: {  	s1 =	sld [smem:$0x3FAF]  }
0x28: {  	s2 =	sld [smem:$0x3FB0]  }
0x29: {  	s4 =	sld [smem:$0x3FB2]  }
0x2a: {  	p0 =	seq.s32 s5, $0x0;
	s5 =	sld [smem:$0x3FB3]  }
0x2b: {  	s6 =	sld [smem:$0x3FB4]  }
0x2c: {  	s7 =	sld [smem:$0x3FB5]  }
0x2d: {  	s3 =	simm.s32 $0x108;
	s8 =	sld [smem:$0x3FB6]  }
0x2e: {  	s3 =	simm.s32 @!p0 $0x1082;
	s9 =	sld [smem:$0x3FB7]  }
0x2f: {  	lr =	sadd.s32 s0, s3;
	s0 =	sld [smem:$0x3FAE]  }
0x30: {  	s3 =	sld [smem:$0x3FB1]  }
0x31: {  	[smem:$0x3FBA] =	sst s10  }
0x32: {  	s10 =	sld [smem:$0x3FB8];
	_ =	sdelay $0x3  }
0x33: {  	p0 =	seq.s32 s10, $0x1;
	s10 =	sld [smem:$0x3FBA];
	_ =	sdelay $0x3  }
0x34: {  	[smem:$0x3FBA] =	sst s10  }
0x35: {  	s10 =	sld [smem:$0x3FB9];
	_ =	sdelay $0x3  }
0x36: {  	p1 =	seq.s32 s10, $0x1;
	s10 =	sld [smem:$0x3FBA];
	_ =	sdelay $0x3  }
0x37: {  	[smem:$0x3FBA] =	sst s10  }
0x38: {  	s10 =	sld [smem:$0x3FBB]  }
0x39: {  	_ = 	snop;
	(pc) =	sbr.ind lr, $3  }
0x3a: {  	_ = 	snop  }
0x3b: {  	_ = 	snop  }
0x3c: {  	p2 =	seq.s32 s10, $0x1;
	s10 =	sld [smem:$0x3FBA]  }
0x3d: {  	_ =	shalt  }
0x3e: {  	_ =	shalt  }
0x3f: {  	_ =	shalt  }
0x40: {  	_ =	shalt  }
0x41: {  	_ =	shalt  }
0x42: {  	_ =	shalt  }
0x43: {  	_ =	shalt  }
0x44: {  	_ =	shalt  }
0x45: {  	_ =	shalt  }
0x46: {  	_ =	shalt  }
0x47: {  	_ =	shalt  }
0x48: {  	_ =	shalt  }
0x49: {  	_ =	shalt  }
0x4a: {  	_ =	shalt  }
0x4b: {  	_ =	shalt  }
0x4c: {  	_ =	shalt  }
0x4d: {  	_ =	shalt  }
0x4e: {  	_ =	shalt  }
0x4f: {  	_ =	shalt  }
0x50: {  	_ =	shalt  }
0x51: {  	_ =	shalt  }
0x52: {  	_ =	shalt  }
0x53: {  	_ =	shalt  }
0x54: {  	_ =	shalt  }
0x55: {  	_ =	shalt  }
0x56: {  	_ =	shalt  }
0x57: {  	_ =	shalt  }
0x58: {  	_ =	shalt  }
0x59: {  	_ =	shalt  }
0x5a: {  	_ =	shalt  }
0x5b: {  	_ =	shalt  }
0x5c: {  	_ =	shalt  }
0x5d: {  	_ =	shalt  }
0x5e: {  	_ =	shalt  }
0x5f: {  	_ =	shalt  }
0x60: {  	_ =	shalt  }
0x61: {  	_ =	shalt  }
0x62: {  	_ =	shalt  }
0x63: {  	_ =	shalt  }
0x64: {  	_ =	shalt  }
0x65: {  	_ =	shalt  }
0x66: {  	_ =	shalt  }
0x67: {  	_ =	shalt  }
0x68: {  	_ =	shalt  }
0x69: {  	_ =	shalt  }
0x6a: {  	_ =	shalt  }
0x6b: {  	_ =	shalt  }
0x6c: {  	_ =	shalt  }
0x6d: {  	_ =	shalt  }
0x6e: {  	_ =	shalt  }
0x6f: {  	_ =	shalt  }
0x70: {  	_ =	shalt  }
0x71: {  	_ =	shalt  }
0x72: {  	_ =	shalt  }
0x73: {  	_ =	shalt  }
0x74: {  	_ =	shalt  }
0x75: {  	_ =	shalt  }
0x76: {  	_ =	shalt  }
0x77: {  	_ =	shalt  }
0x78: {  	_ =	shalt  }
0x79: {  	_ =	shalt  }
0x7a: {  	_ =	shalt  }
0x7b: {  	_ =	shalt  }
0x7c: {  	_ =	shalt  }
0x7d: {  	_ =	shalt  }
0x7e: {  	_ =	shalt  }
0x7f: {  	_ =	shalt  }
0x80: {  	_ =	shalt  }
0x81: {  	_ =	shalt  }
0x82: {  	_ =	shalt  }
0x83: {  	_ =	shalt  }
0x84: {  	_ =	shalt  }
0x85: {  	_ =	shalt  }
0x86: {  	_ =	shalt  }
0x87: {  	_ =	shalt  }
.Lfunc_end0:
.L_simem_size_0:
called_computation_lowered:
.L_overlay_start_0:
0x88: {  	s2 =	sld [smem:$0x3FD9]  }
0x89: {  	s3 =	sld [smem:$0x3FFE];
	_ =	sdelay $0x1  }
0x8a: {  	s1 =	srdreg.scid  }
0x8b: {  	s0 =	sand.u32 $0x1, s1  }
0x8c: {  	s17 =	sshll.u32 s0, $0xA;
	s2 =	sadd.s32 s3, s2  }
0x8d: {  	s2 =	sadd.s32 s2, s17  }
0x8e: {  	[smem:$0x3FC6] =	sst s2  }
0x8f: {  	_ = 	snop  }
0x90: {  	s2 =	sld [smem:$0x3FC8]  }
0x91: {  	s18 =	sld [smem:$0x3FD0];
	(tm) =	ssettm $0x1  }
0x92: {  	s4 =	sld [smem:$0x3FFB];
	_ =	sdelay $0x3  }
0x93: {  	_ =	strace s4  }
0x94: {  	s4 =	sld [smem:$0x3FFC];
	_ =	sdelay $0x3  }
0x95: {  	_ =	strace s4  }
0x96: {  	s4 =	sld [smem:$0x3FFD];
	_ =	sdelay $0x3  }
0x97: {  	_ =	strace s4  }
0x98: {  	_ =	strace $0x8FFFFFFF  }
0x99: {  	s19 =	sld [smem:$0x3FDB];
	_ =	sdelay $0x1  }
0x9a: {  	s5 =	simm.s32 $_scs_section_size  }
0x9b: {  	s6 =	simm.s32 $_size__tile_overlayer_lowered;
	s7 =	simm.s32 $_tile_overlayer_lowered  }
0x9c: {  	s22 =	simm.s32 $0x1BFF;
	s21 =	sshll.u32 s7, $0x1;
	s4 =	sadd.s32 s5, s19  }
0x9d: {  	s8 =	simm.s32 $0x0;
	s20 =	sshll.u32 s6, $0x1;
	s6 =	sadd.s32 s21, s4  }
0x9e: {  	[timem:s8], [sflag:s22] =	dma.local [hbm:s6], s20  }
0x9f: {  	_ =	swait.ge [sflag:s22], s20  }
0xa0: {  	s5 =	ssub.s32 $0x0, s20;
	[sflag:s22] =	ssyncset.done $0x0  }
0xa1: {  	[sflag:s22] =	ssyncadd.s32 s5;
	_ =	sdelay $0x1  }
0xa2: {  	s23 =	simm.s32 $0x1B8B  }
0xa3: {  	_ =	swait.ge [sflag:s23], $0x1  }
0xa4: {  	[sflag:s23] =	ssyncset.done $0x0  }
0xa5: {  	s25 =	simm.s32 $0x1B8E;
	s24 =	sld [smem:$0x3FFE];
	[sflag:s23] =	ssyncadd.s32 $0xFFFFFFFF  }
0xa6: {  	s26 =	simm.s32 $execute0_lowered;
	[smem:$0x3FD2] =	sst s25  }
0xa7: {  	s6 =	sshll.u32 s26, $0x1;
	_ =	strace $0x80000046;
	[dreg:$0x1] =	wrdreg $0xFFFFFFFF  }
0xa8: {  	s28 =	simm.s32 $_size_execute0_lowered;
	s4 =	sadd.s32 s4, s6;
	[dreg:$0x0] =	wrdreg $0x0  }
0xa9: {  	s6 =	sshll.u32 s28, $0x1;
	[dreg:$0x2] =	wrdreg s4  }
0xaa: {  	[dreg:$0x3] =	wrdreg s6  }
0xab: {  	[dreg:$0x4] =	wrdreg $0xC0  }
0xac: {  	_ =	task [dreg:s8], $0x5FFFF  }
0xad: {  	[dreg:$0x1] =	wrdreg $0xFFFFFFFF  }
0xae: {  	[dreg:$0x0] =	wrdreg $0x60  }
0xaf: {  	[dreg:$0x2] =	wrdreg s24  }
0xb0: {  	[dreg:$0x3] =	wrdreg s2  }
0xb1: {  	[dreg:$0x4] =	wrdreg s18  }
0xb2: {  	[dreg:$0x5] =	wrdreg $0x145000  }
0xb3: {  	[dreg:$0x6] =	wrdreg $0x9  }
0xb4: {  	_ =	task.clear_ibuf [dreg:s8], $0x7FFFF;
	_ =	strace $0x90000046  }
0xb5: {  	s29 =	simm.s32 $0x9;
	_ =	strace $0x80000048  }
0xb6: {  	_ =	swait.ge [sflag:s29], $0x1  }
0xb7: {  	[sflag:s29] =	ssyncadd.s32 $0xFFFFFFFF  }
0xb8: {  	_ =	strace $0x90000048  }
0xb9: {  	_ =	sfence  }
0xba: {  	s30 =	sld [smem:$0x0];
	_ =	sdelay $0x2  }
0xbb: {  	s31 =	sshll.u32 s1, $0xD;
	s1 =	sshrl.u32 s1, $0x2  }
0xbc: {  	s3 =	sand.u32 $0x4000, s31;
	s1 =	sadd.s32 s1, s30  }
0xbd: {  	s0 =	sor.u32 s3, s0;
	s1 =	sshll.u32 s1, $0x11  }
0xbe: {  	s0 =	sor.u32 s1, s0  }
0xbf: {  	s0 =	sadd.s32 $0x8F2B, s0  }
0xc0: {  	[sflag:s0] =	ssyncadd.remote.s32 $0x1  }
0xc1: {  	_ =	sfence.sel $0xFFFF  }
0xc2: {  	[dreg:$0x0] =	wrdreg $0xFFFFFFFF;
	(pc) =	sbr.abs _section_cstart, $3  }
0xc3: {  	[dreg:$0x1] =	wrdreg $0xFFFFFFFF  }
0xc4: {  	_ =	task.clear_ibuf [dreg:s8], $0x2FFFF;
	_ =	strace $0x9FFFFFFF  }
0xc5: {  	(tm) =	ssettm $0x7FFFFFFF  }
tec
execute0_lowered:
.L_overlay_start_1:
0x0: {  	(tag) =	ssettag $0x1  }
0x1: {  	s0 =	rddreg [dreg:$0x0]  }
0x2: {  	s1 =	rddreg [dreg:$0x2]  }
0x3: {  	s3 =	srdreg.scid;
	s4 =	stileid.u32  }
0x4: {  	s2 =	rddreg [dreg:$0x3];
	s22 =	simm.s32 $0x280;
	s17 =	simm.s32 $0x11  }
0x5: {  	s13 =	simm.s32 $0x50;
	s15 =	simm.s32 $0xA500;
	s16 =	simm.s32 $0x1  }
0x6: {  	s30 =	simm.s32 $0x500;
	s19 =	simm.s32 $0x11D00;
	s20 =	simm.s32 $0x4  }
0x7: {  	s29 =	simm.s32 $0x6;
	s31 =	simm.s32 $0x9;
	s14 =	simm.s32 $0xB  }
0x8: {  	s11 =	simm.s32 $0x2;
	s5 =	sand.u32 $0x1, s3;
	s8 =	smul.u32 $0x32000, s4  }
0x9: {  	s6 =	sshll.u32 s4, $0x1;
	s3 =	simm.s32 $0x0;
	s25 =	smul.u32 $0x320000, s4  }
0xa: {  	s0 =	sadd.s32 $0x400, s0;
	p0 =	sne.s32 s4, $0x0;
	s23 =	smul.u32 $0x19000, s5  }
0xb: {  	s6 =	sor.u32 s5, s6;
	s7 =	ssub.s32 $0x2, s5;
	s5 =	smul.u32 $0x190000, s5  }
0xc: {  	[smem:$0x7FF] =	sst s3;
	s6 =	smul.u32 $0x19000, s6;
	s9 =	sshrl.u32 s7, $0x1  }
0xd: {  	_ =	strace $0x80000047;
	s1 =	sadd.s32 s25, s1;
	s7 =	ssub.s32 s7, s9  }
0xe: {  	s25 =	simm.s32 $0x7D00;
	s6 =	sshrl.u32 s6, $0x3;
	s7 =	smax.u32 s7, $0x1  }
0xf: {  	s9 =	simm.s32 $0xF500;
	s10 =	sadd.s32 s0, s6;
	[dreg:$0x7] =	wrdreg s7  }
0x10: {  	s6 =	sadd.s32 s23, s8;
	s7 =	sadd.s32 s5, s1;
	s23 =	simm.s32 $0x140  }
0x11: {  	s5 =	simm.s32 $0x7;
	[dreg:$0x5] =	wrdreg s10;
	s8 =	sor.u32 $0x780, s6  }
0x12: {  	s24 =	sadd.s32 $0x50, s10;
	s6 =	sor.u32 $0x500, s6;
	s26 =	sshrl.u32 s8, $0x3  }
0x13: {  	[dreg:$0x6] =	wrdreg s24;
	s28 =	sshrl.u32 s6, $0x3;
	s1 =	sadd.s32 s26, s0  }
0x14: {  	s24 =	simm.s32 $0x5;
	s0 =	sadd.s32 s28, s0;
	[dreg:$0x8] =	wrdreg s1  }
0x15: {  	s8 =	simm.s32 $0x8;
	[dreg:$0x9] =	wrdreg s0;
	s0 =	sshrl.u32 @!p0 s2, $0x3  }
0x16: {  	s26 =	simm.s32 $0xA;
	s1 =	simm.s32 $0x0;
	[dreg:$0xa] =	wrdreg s0  }
.LBB2_1:
0x17: {  	[dreg:$0xb] =	wrdreg s1  }
0x18: {  	s10 =	rddreg [dreg:$0x1]  }
0x19: {  	s0 =	simm.s32 @!p0 $0x1C13;
	s12 =	rddreg [dreg:$0xa]  }
0x1a: {  	[spmem:s12], [sflag:s0] =	dma.local @!p0 [hbm:s10], $0x3E90  }
0x1b: {  	s0 =	simm.s32 @!p0 $0x13  }
0x1c: {  	_ =	swait.ge @!p0 [sflag:s0], $0x3E90  }
0x1d: {  	[sflag:s0] =	ssyncset.done @!p0 $0x0  }
0x1e: {  	[sflag:s0] =	ssyncadd.s32 @!p0 $0xFFFFC170  }
0x1f: {  	[bflag:$0x0] =	sbarrier.arrive $0xFFFF  }
0x20: {  	s18 =	rddreg [dreg:$0x5]  }
0x21: {  	s21 =	rddreg [dreg:$0x6]  }
0x22: {  	s4 =	simm.s32 $0xCD00;
	s10 =	rddreg [dreg:$0x9]  }
0x23: {  	[tilespmem:s3], [sflag:$0x11] =	stream.linear.gather [hbm4b:s18+s3], $0x280, $0x38;
	[tilespmem:$0x16448] =	vst v63  }
0x24: {  	s1 =	simm.s32 $0x3;
	s0 =	simm.s32 $0x0;
	s28 =	rddreg [dreg:$0x8]  }
0x25: {  	[tilespmem:s22], [sflag:$0x12] =	stream.linear.gather [hbm4b:s21+s3], $0x280, $0x38;
	[tilespmem:$0x16448] =	vst v63  }
.LBB2_2:
0x26: {  	_ =	swait.ge [sflag:s17], $0x280  }
0x27: {  	p1 =	sne.s32 s0, $0x0;
	[sflag:s17] =	ssyncset.done $0x0  }
0x28: {  	s12 =	simm.s32 @p1 $0x9;
	[sflag:s17] =	ssyncadd.s32 $0xFFFFFD80  }
0x29: {  	_ =	swait.ge @p1 [sflag:s12], $0x2800  }
0x2a: {  	s21 =	simm.s32 @p1 $0x500;
	[sflag:s12] =	ssyncset.done @p1 $0x0  }
0x2b: {  	s17 =	simm.s32 @p1 $0x0;
	[sflag:s12] =	ssyncadd.s32 @p1 $0xFFFFD800;
	s12 =	simm.s32 @p1 $0x50  }
0x2c: {  	[tilespmem:s21], [sflag:$0x1] =	stream.indirect.gather @p1 [spmem:s2], $0x80, s17, s12, $0xb8;
	[tilespmem:$0x16448] =	vst v63  }
0x2d: {  	s17 =	simm.s32 @p1 $0xA  }
0x2e: {  	_ =	swait.ge @p1 [sflag:s17], $0x2800  }
0x2f: {  	[sflag:s17] =	ssyncset.done @p1 $0x0  }
0x30: {  	[sflag:s17] =	ssyncadd.s32 @p1 $0xFFFFD800;
	s17 =	simm.s32 @p1 $0x2D00  }
0x31: {  	[tilespmem:s17], [sflag:$0x2] =	stream.indirect.gather @p1 [spmem:s2], $0x80, s12, s12, $0xb8;
	[tilespmem:$0x16448] =	vst v63  }
0x32: {  	s17 =	simm.s32 @p1 $0xB  }
0x33: {  	_ =	swait.ge @p1 [sflag:s17], $0x2800  }
0x34: {  	[sflag:s17] =	ssyncset.done @p1 $0x0  }
0x35: {  	s21 =	simm.s32 @p1 $0x5500;
	[sflag:s17] =	ssyncadd.s32 @p1 $0xFFFFD800;
	s17 =	simm.s32 @p1 $0xA0  }
0x36: {  	[tilespmem:s21], [sflag:$0x3] =	stream.indirect.gather @p1 [spmem:s2], $0x80, s17, s12, $0xb8;
	[tilespmem:$0x16448] =	vst v63  }
0x37: {  	s17 =	simm.s32 @p1 $0xC  }
0x38: {  	_ =	swait.ge @p1 [sflag:s17], $0x2800  }
0x39: {  	[sflag:s17] =	ssyncset.done @p1 $0x0  }
0x3a: {  	s21 =	simm.s32 @p1 $0x7D00;
	[sflag:s17] =	ssyncadd.s32 @p1 $0xFFFFD800;
	s17 =	simm.s32 @p1 $0xF0  }
0x3b: {  	[tilespmem:s21], [sflag:$0x4] =	stream.indirect.gather @p1 [spmem:s2], $0x80, s17, s12, $0xb8;
	[tilespmem:$0x16448] =	vst v63  }
0x3c: {  	s12 =	simm.s32 @p1 $0xD  }
0x3d: {  	_ =	swait.ge @p1 [sflag:s12], $0x2800  }
0x3e: {  	s17 =	simm.s32 @!p1 $0x0;
	[sflag:s12] =	ssyncset.done @p1 $0x0  }
0x3f: {  	s21 =	simm.s32 @!p1 $0x500;
	[sflag:s12] =	ssyncadd.s32 @p1 $0xFFFFD800;
	s12 =	simm.s32 @!p1 $0x50  }
0x40: {  	[tilespmem:s21], [sflag:$0x1] =	stream.indirect.gather @!p1 [spmem:s2], $0x80, s17, s12, $0xb8;
	[tilespmem:$0x16448] =	vst v63  }
0x41: {  	s17 =	simm.s32 @!p1 $0x2D00  }
0x42: {  	[tilespmem:s17], [sflag:$0x2] =	stream.indirect.gather @!p1 [spmem:s2], $0x80, s12, s12, $0xb8;
	[tilespmem:$0x16448] =	vst v63  }
0x43: {  	s21 =	simm.s32 @!p1 $0x5500;
	s17 =	simm.s32 @!p1 $0xA0  }
0x44: {  	[tilespmem:s21], [sflag:$0x3] =	stream.indirect.gather @!p1 [spmem:s2], $0x80, s17, s12, $0xb8;
	[tilespmem:$0x16448] =	vst v63  }
0x45: {  	s17 =	simm.s32 @!p1 $0xF0;
	s21 =	simm.s32 @!p1 $0x7D00  }
0x46: {  	[tilespmem:s21], [sflag:$0x4] =	stream.indirect.gather @!p1 [spmem:s2], $0x80, s17, s12, $0xb8;
	[tilespmem:$0x16448] =	vst v63  }
0x47: {  	_ = 	snop  }
0x48: {  	[tilespmem:s15], [sflag:$0x5] =	stream.indirect.gather [spmem:s2], $0x80, s23, s13, $0xb8;
	[tilespmem:$0x16448] =	vst v63  }
0x49: {  	_ =	swait.ge [sflag:s16], $0x2800  }
0x4a: {  	[sflag:s16] =	ssyncset.done $0x0  }
0x4b: {  	p1 =	seq.s32 s0, $0x0;
	s12 =	sadd.s32 s0, s7;
	[sflag:s16] =	ssyncadd.s32 $0xFFFFD800  }
0x4c: {  	[hbm4b:s12+s3] =	stream.linear.scatter [tilespmem:s30], [sflag:$0x9], $0x2800, $0x38;
	[tilespmem:$0x16448] =	vst v63  }
0x4d: {  	s17 =	simm.s32 @p1 $0x50;
	s21 =	simm.s32 @p1 $0x190;
	s22 =	simm.s32 @p1 $0xCD00  }
0x4e: {  	[tilespmem:s22], [sflag:$0x6] =	stream.indirect.gather @p1 [spmem:s2], $0x80, s21, s17, $0xb8;
	[tilespmem:$0x16448] =	vst v63  }
0x4f: {  	s21 =	simm.s32 @p1 $0x2  }
0x50: {  	_ =	swait.ge @p1 [sflag:s21], $0x2800  }
0x51: {  	[sflag:s21] =	ssyncset.done @p1 $0x0  }
0x52: {  	[sflag:s21] =	ssyncadd.s32 @p1 $0xFFFFD800;
	s21 =	sadd.s32 @p1 s0, s7  }
0x53: {  	s23 =	simm.s32 @p1 $0x2D00;
	s30 =	simm.s32 @p1 $0x0;
	s22 =	sadd.s32 @p1 $0x500, s21  }
0x54: {  	[hbm4b:s22+s30] =	stream.linear.scatter @p1 [tilespmem:s23], [sflag:$0xA], $0x2800, $0x38;
	[tilespmem:$0x16448] =	vst v63  }
0x55: {  	s22 =	simm.s32 @p1 $0x1E0;
	s23 =	simm.s32 @p1 $0xF500  }
0x56: {  	[tilespmem:s23], [sflag:$0x7] =	stream.indirect.gather @p1 [spmem:s2], $0x80, s22, s17, $0xb8;
	[tilespmem:$0x16448] =	vst v63  }
0x57: {  	s17 =	simm.s32 @p1 $0x3  }
0x58: {  	_ =	swait.ge @p1 [sflag:s17], $0x2800  }
0x59: {  	[sflag:s17] =	ssyncset.done @p1 $0x0  }
0x5a: {  	[sflag:s17] =	ssyncadd.s32 @p1 $0xFFFFD800;
	s17 =	sadd.s32 @p1 $0xA00, s21;
	s21 =	simm.s32 @p1 $0x5500  }
0x5b: {  	[hbm4b:s17+s30] =	stream.linear.scatter @p1 [tilespmem:s21], [sflag:$0xB], $0x2800, $0x38;
	[tilespmem:$0x16448] =	vst v63  }
0x5c: {  	s17 =	simm.s32 @!p1 $0xE  }
0x5d: {  	_ =	swait.ge @!p1 [sflag:s17], $0x2800  }
0x5e: {  	s22 =	simm.s32 @!p1 $0xCD00;
	[sflag:s17] =	ssyncset.done @!p1 $0x0  }
0x5f: {  	s21 =	simm.s32 @!p1 $0x190;
	[sflag:s17] =	ssyncadd.s32 @!p1 $0xFFFFD800;
	s17 =	simm.s32 @!p1 $0x50  }
0x60: {  	[tilespmem:s22], [sflag:$0x6] =	stream.indirect.gather @!p1 [spmem:s2], $0x80, s21, s17, $0xb8;
	[tilespmem:$0x16448] =	vst v63  }
0x61: {  	s21 =	simm.s32 @!p1 $0x2  }
0x62: {  	_ =	swait.ge @!p1 [sflag:s21], $0x2800  }
0x63: {  	[sflag:s21] =	ssyncset.done @!p1 $0x0  }
0x64: {  	[sflag:s21] =	ssyncadd.s32 @!p1 $0xFFFFD800;
	s21 =	sadd.s32 @!p1 s0, s7  }
0x65: {  	s23 =	simm.s32 @!p1 $0x0;
	s30 =	simm.s32 @!p1 $0x2D00;
	s22 =	sadd.s32 @!p1 $0x500, s21  }
0x66: {  	[hbm4b:s22+s23] =	stream.linear.scatter @!p1 [tilespmem:s30], [sflag:$0xA], $0x2800, $0x38;
	[tilespmem:$0x16448] =	vst v63  }
0x67: {  	s22 =	simm.s32 @!p1 $0xF  }
0x68: {  	_ =	swait.ge @!p1 [sflag:s22], $0x2800  }
0x69: {  	[sflag:s22] =	ssyncset.done @!p1 $0x0  }
0x6a: {  	s30 =	simm.s32 @!p1 $0xF500;
	[sflag:s22] =	ssyncadd.s32 @!p1 $0xFFFFD800;
	s22 =	simm.s32 @!p1 $0x1E0  }
0x6b: {  	[tilespmem:s30], [sflag:$0x7] =	stream.indirect.gather @!p1 [spmem:s2], $0x80, s22, s17, $0xb8;
	[tilespmem:$0x16448] =	vst v63  }
0x6c: {  	s17 =	simm.s32 @!p1 $0x3  }
0x6d: {  	_ =	swait.ge @!p1 [sflag:s17], $0x2800  }
0x6e: {  	[sflag:s17] =	ssyncset.done @!p1 $0x0  }
0x6f: {  	[sflag:s17] =	ssyncadd.s32 @!p1 $0xFFFFD800;
	s17 =	sadd.s32 @!p1 $0xA00, s21;
	s21 =	simm.s32 @!p1 $0x5500  }
0x70: {  	[hbm4b:s17+s23] =	stream.linear.scatter @!p1 [tilespmem:s21], [sflag:$0xB], $0x2800, $0x38;
	[tilespmem:$0x16448] =	vst v63  }
0x71: {  	s17 =	simm.s32 @!p1 $0x10  }
0x72: {  	_ =	swait.ge @!p1 [sflag:s17], $0x2800  }
0x73: {  	[sflag:s17] =	ssyncset.done @!p1 $0x0  }
0x74: {  	s21 =	simm.s32 $0x230;
	[sflag:s17] =	ssyncadd.s32 @!p1 $0xFFFFD800  }
0x75: {  	[tilespmem:s19], [sflag:$0x8] =	stream.indirect.gather [spmem:s2], $0x80, s21, s13, $0xb8;
	[tilespmem:$0x16448] =	vst v63  }
0x76: {  	_ =	swait.ge [sflag:s20], $0x2800  }
0x77: {  	[sflag:s20] =	ssyncset.done $0x0  }
0x78: {  	s6 =	sadd.s32 $0xF00, s12;
	[sflag:s20] =	ssyncadd.s32 $0xFFFFD800  }
0x79: {  	[hbm4b:s6+s3] =	stream.linear.scatter [tilespmem:s25], [sflag:$0xC], $0x2800, $0x38;
	[tilespmem:$0x16448] =	vst v63  }
0x7a: {  	s6 =	simm.s32 $0x12  }
0x7b: {  	_ =	swait.ge [sflag:s6], $0x280  }
0x7c: {  	[sflag:s6] =	ssyncset.done $0x0  }
0x7d: {  	[sflag:s6] =	ssyncadd.s32 $0xFFFFFD80  }
0x7e: {  	_ =	swait.ge [sflag:s31], $0x2800  }
0x7f: {  	[sflag:s31] =	ssyncset.done $0x0  }
0x80: {  	s30 =	simm.s32 $0x500;
	s22 =	simm.s32 $0x280;
	[sflag:s31] =	ssyncadd.s32 $0xFFFFD800  }
0x81: {  	[tilespmem:s30], [sflag:$0x1] =	stream.indirect.gather [spmem:s2], $0x80, s22, s13, $0xb8;
	[tilespmem:$0x16448] =	vst v63  }
0x82: {  	_ =	swait.ge [sflag:s24], $0x2800  }
0x83: {  	[sflag:s24] =	ssyncset.done $0x0  }
0x84: {  	s18 =	sadd.s32 $0x1400, s12;
	[sflag:s24] =	ssyncadd.s32 $0xFFFFD800  }
0x85: {  	[hbm4b:s18+s3] =	stream.linear.scatter [tilespmem:s15], [sflag:$0xD], $0x2800, $0x38;
	[tilespmem:$0x16448] =	vst v63  }
0x86: {  	_ =	swait.ge [sflag:s26], $0x2800  }
0x87: {  	[sflag:s26] =	ssyncset.done $0x0  }
0x88: {  	s21 =	simm.s32 $0x2D0;
	s18 =	simm.s32 $0x2D00;
	[sflag:s26] =	ssyncadd.s32 $0xFFFFD800  }
0x89: {  	[tilespmem:s18], [sflag:$0x2] =	stream.indirect.gather [spmem:s2], $0x80, s21, s13, $0xb8;
	[tilespmem:$0x16448] =	vst v63  }
0x8a: {  	_ =	swait.ge [sflag:s29], $0x2800  }
0x8b: {  	[sflag:s29] =	ssyncset.done $0x0  }
0x8c: {  	s6 =	sadd.s32 $0x1900, s12;
	[sflag:s29] =	ssyncadd.s32 $0xFFFFD800  }
0x8d: {  	[hbm4b:s6+s3] =	stream.linear.scatter [tilespmem:s4], [sflag:$0xE], $0x2800, $0x38;
	[tilespmem:$0x16448] =	vst v63  }
0x8e: {  	_ =	swait.ge [sflag:s14], $0x2800  }
0x8f: {  	[sflag:s14] =	ssyncset.done $0x0  }
0x90: {  	s21 =	simm.s32 $0x320;
	s6 =	simm.s32 $0x5500;
	[sflag:s14] =	ssyncadd.s32 $0xFFFFD800  }
0x91: {  	[tilespmem:s6], [sflag:$0x3] =	stream.indirect.gather [spmem:s2], $0x80, s21, s13, $0xb8;
	[tilespmem:$0x16448] =	vst v63  }
0x92: {  	_ =	swait.ge [sflag:s5], $0x2800  }
0x93: {  	[sflag:s5] =	ssyncset.done $0x0  }
0x94: {  	s21 =	sadd.s32 $0x1E00, s12;
	[sflag:s5] =	ssyncadd.s32 $0xFFFFD800  }
0x95: {  	[hbm4b:s21+s3] =	stream.linear.scatter [tilespmem:s9], [sflag:$0xF], $0x2800, $0x38;
	[tilespmem:$0x16448] =	vst v63  }
0x96: {  	s21 =	simm.s32 $0xC  }
0x97: {  	_ =	swait.ge [sflag:s21], $0x2800  }
0x98: {  	[sflag:s21] =	ssyncset.done $0x0  }
0x99: {  	[sflag:s21] =	ssyncadd.s32 $0xFFFFD800;
	s21 =	simm.s32 $0x370  }
0x9a: {  	[tilespmem:s25], [sflag:$0x4] =	stream.indirect.gather [spmem:s2], $0x80, s21, s13, $0xb8;
	[tilespmem:$0x16448] =	vst v63  }
0x9b: {  	_ =	swait.ge [sflag:s8], $0x2800  }
0x9c: {  	[sflag:s8] =	ssyncset.done $0x0  }
0x9d: {  	p1 =	seq.s32 s0, $0x18B000;
	s21 =	sadd.s32 $0x2300, s12;
	[sflag:s8] =	ssyncadd.s32 $0xFFFFD800  }
0x9e: {  	[hbm4b:s21+s3] =	stream.linear.scatter [tilespmem:s19], [sflag:$0x10], $0x2800, $0x38;
	[tilespmem:$0x16448] =	vst v63  }
0x9f: {  	s17 =	simm.s32 @!p1 $0x0;
	s21 =	simm.s32 $0xD  }
0xa0: {  	[tilespmem:s17], [sflag:$0x11] =	stream.linear.gather @!p1 [hbm4b:s10+s17], $0x280, $0x38;
	[tilespmem:$0x16448] =	vst v63  }
0xa1: {  	_ =	swait.ge [sflag:s21], $0x2800  }
0xa2: {  	[sflag:s21] =	ssyncset.done $0x0  }
0xa3: {  	[sflag:s21] =	ssyncadd.s32 $0xFFFFD800;
	s21 =	simm.s32 $0x3C0  }
0xa4: {  	[tilespmem:s15], [sflag:$0x5] =	stream.indirect.gather [spmem:s2], $0x80, s21, s13, $0xb8;
	[tilespmem:$0x16448] =	vst v63  }
0xa5: {  	_ =	swait.ge [sflag:s16], $0x2800  }
0xa6: {  	[sflag:s16] =	ssyncset.done $0x0  }
0xa7: {  	s21 =	sadd.s32 $0x2800, s12;
	[sflag:s16] =	ssyncadd.s32 $0xFFFFD800  }
0xa8: {  	[hbm4b:s21+s3] =	stream.linear.scatter [tilespmem:s30], [sflag:$0x9], $0x2800, $0x38;
	[tilespmem:$0x16448] =	vst v63  }
0xa9: {  	s21 =	simm.s32 $0xE  }
0xaa: {  	_ =	swait.ge [sflag:s21], $0x2800  }
0xab: {  	[sflag:s21] =	ssyncset.done $0x0  }
0xac: {  	[sflag:s21] =	ssyncadd.s32 $0xFFFFD800;
	s21 =	simm.s32 $0x410  }
0xad: {  	[tilespmem:s4], [sflag:$0x6] =	stream.indirect.gather [spmem:s2], $0x80, s21, s13, $0xb8;
	[tilespmem:$0x16448] =	vst v63  }
0xae: {  	_ =	swait.ge [sflag:s11], $0x2800  }
0xaf: {  	[sflag:s11] =	ssyncset.done $0x0  }
0xb0: {  	s21 =	sadd.s32 $0x2D00, s12;
	[sflag:s11] =	ssyncadd.s32 $0xFFFFD800  }
0xb1: {  	[hbm4b:s21+s3] =	stream.linear.scatter [tilespmem:s18], [sflag:$0xA], $0x2800, $0x38;
	[tilespmem:$0x16448] =	vst v63  }
0xb2: {  	s18 =	simm.s32 $0xF  }
0xb3: {  	_ =	swait.ge [sflag:s18], $0x2800  }
0xb4: {  	[sflag:s18] =	ssyncset.done $0x0  }
0xb5: {  	s21 =	simm.s32 $0x460;
	[sflag:s18] =	ssyncadd.s32 $0xFFFFD800  }
0xb6: {  	[tilespmem:s9], [sflag:$0x7] =	stream.indirect.gather [spmem:s2], $0x80, s21, s13, $0xb8;
	[tilespmem:$0x16448] =	vst v63  }
0xb7: {  	_ =	swait.ge [sflag:s1], $0x2800  }
0xb8: {  	[sflag:s1] =	ssyncset.done $0x0  }
0xb9: {  	s18 =	sadd.s32 $0x3200, s12;
	[sflag:s1] =	ssyncadd.s32 $0xFFFFD800  }
0xba: {  	[hbm4b:s18+s3] =	stream.linear.scatter [tilespmem:s6], [sflag:$0xB], $0x2800, $0x38;
	[tilespmem:$0x16448] =	vst v63  }
0xbb: {  	s18 =	simm.s32 $0x10  }
0xbc: {  	_ =	swait.ge [sflag:s18], $0x2800  }
0xbd: {  	[sflag:s18] =	ssyncset.done $0x0  }
0xbe: {  	s21 =	simm.s32 $0x4B0;
	[sflag:s18] =	ssyncadd.s32 $0xFFFFD800  }
0xbf: {  	[tilespmem:s19], [sflag:$0x8] =	stream.indirect.gather [spmem:s2], $0x80, s21, s13, $0xb8;
	[tilespmem:$0x16448] =	vst v63  }
0xc0: {  	_ =	swait.ge [sflag:s20], $0x2800  }
0xc1: {  	[sflag:s20] =	ssyncset.done $0x0  }
0xc2: {  	s6 =	sadd.s32 $0x3700, s12;
	[sflag:s20] =	ssyncadd.s32 $0xFFFFD800  }
0xc3: {  	[hbm4b:s6+s3] =	stream.linear.scatter [tilespmem:s25], [sflag:$0xC], $0x2800, $0x38;
	[tilespmem:$0x16448] =	vst v63  }
0xc4: {  	_ =	swait.ge [sflag:s24], $0x2800  }
0xc5: {  	[sflag:s24] =	ssyncset.done $0x0  }
0xc6: {  	s18 =	sadd.s32 $0x3C00, s12;
	[sflag:s24] =	ssyncadd.s32 $0xFFFFD800  }
0xc7: {  	[hbm4b:s18+s3] =	stream.linear.scatter [tilespmem:s15], [sflag:$0xD], $0x2800, $0x38;
	[tilespmem:$0x16448] =	vst v63  }
0xc8: {  	_ =	swait.ge [sflag:s29], $0x2800  }
0xc9: {  	[sflag:s29] =	ssyncset.done $0x0  }
0xca: {  	s6 =	sadd.s32 $0x4100, s12;
	[sflag:s29] =	ssyncadd.s32 $0xFFFFD800  }
0xcb: {  	[hbm4b:s6+s3] =	stream.linear.scatter [tilespmem:s4], [sflag:$0xE], $0x2800, $0x38;
	[tilespmem:$0x16448] =	vst v63  }
0xcc: {  	_ =	swait.ge [sflag:s5], $0x2800  }
0xcd: {  	[sflag:s5] =	ssyncset.done $0x0  }
0xce: {  	s0 =	sadd.s32 @!p1 $0x5000, s0;
	s18 =	sadd.s32 $0x4600, s12;
	[sflag:s5] =	ssyncadd.s32 $0xFFFFD800  }
0xcf: {  	[hbm4b:s18+s3] =	stream.linear.scatter [tilespmem:s9], [sflag:$0xF], $0x2800, $0x38;
	[tilespmem:$0x16448] =	vst v63  }
0xd0: {  	p2 =	sne.s32 @!p1 s0, $0x190000;
	_ =	swait.ge [sflag:s8], $0x2800  }
0xd1: {  	p2 =	por p1, !p2;
	[sflag:s8] =	ssyncset.done $0x0  }
.Ltmp0:
0xd2: {  	s12 =	sadd.s32 $0x4B00, s12;
	[sflag:s8] =	ssyncadd.s32 $0xFFFFD800;
	(pc) =	sbr.rel @!p2 .LBB2_2-.Ltmp0, $4  }
0xd3: {  	[hbm4b:s12+s3] =	stream.linear.scatter [tilespmem:s19], [sflag:$0x10], $0x2800, $0x38;
	[tilespmem:$0x16448] =	vst v63  }
0xd4: {  	s23 =	simm.s32 $0x140;
	s12 =	simm.s32 @!p1 $0x280  }
0xd5: {  	[tilespmem:s12], [sflag:$0x12] =	stream.linear.gather @!p1 [hbm4b:s28+s17], $0x280, $0x38;
	[tilespmem:$0x16448] =	vst v63  }
0xd6: {  	s10 =	sadd.s32 @!p1 $0xA0, s10;
	s17 =	simm.s32 $0x11;
	s28 =	sadd.s32 @!p1 $0xA0, s28  }
0xd7: {  	_ =	swait.ge [sflag:s31], $0x2800  }
0xd8: {  	[sflag:s31] =	ssyncset.done $0x0  }
0xd9: {  	[sflag:s31] =	ssyncadd.s32 $0xFFFFD800  }
0xda: {  	_ =	swait.ge [sflag:s26], $0x2800  }
0xdb: {  	[sflag:s26] =	ssyncset.done $0x0  }
0xdc: {  	[sflag:s26] =	ssyncadd.s32 $0xFFFFD800  }
0xdd: {  	_ =	swait.ge [sflag:s14], $0x2800  }
0xde: {  	[sflag:s14] =	ssyncset.done $0x0  }
0xdf: {  	s0 =	simm.s32 $0xC;
	[sflag:s14] =	ssyncadd.s32 $0xFFFFD800  }
0xe0: {  	_ =	swait.ge [sflag:s0], $0x2800  }
0xe1: {  	[sflag:s0] =	ssyncset.done $0x0  }
0xe2: {  	s12 =	simm.s32 $0xD;
	[sflag:s0] =	ssyncadd.s32 $0xFFFFD800  }
0xe3: {  	_ =	swait.ge [sflag:s12], $0x2800  }
0xe4: {  	[sflag:s12] =	ssyncset.done $0x0  }
0xe5: {  	s18 =	simm.s32 $0xE;
	[sflag:s12] =	ssyncadd.s32 $0xFFFFD800  }
0xe6: {  	_ =	swait.ge [sflag:s18], $0x2800  }
0xe7: {  	[sflag:s18] =	ssyncset.done $0x0  }
0xe8: {  	s21 =	simm.s32 $0xF;
	[sflag:s18] =	ssyncadd.s32 $0xFFFFD800  }
0xe9: {  	_ =	swait.ge [sflag:s21], $0x2800  }
0xea: {  	[sflag:s21] =	ssyncset.done $0x0  }
0xeb: {  	s4 =	simm.s32 $0x10;
	[sflag:s21] =	ssyncadd.s32 $0xFFFFD800  }
0xec: {  	_ =	swait.ge [sflag:s4], $0x2800  }
0xed: {  	s1 =	rddreg [dreg:$0xb]  }
0xee: {  	s28 =	rddreg [dreg:$0x7];
	s1 =	sadd.s32 $0x1, s1  }
0xef: {  	p1 =	sne.s32 s1, s28  }
.Ltmp1:
0xf0: {  	_ = 	snop;
	(pc) =	sbr.rel @p1 .LBB2_1-.Ltmp1, $3  }
0xf1: {  	_ =	sdelay $0x1  }
0xf2: {  	[sflag:s4] =	ssyncset.done $0x0  }
0xf3: {  	[sflag:s4] =	ssyncadd.s32 $0xFFFFD800  }
0xf4: {  	_ =	sfence.sel $0x180000  }
0xf5: {  	[bflag:$0x0] =	sbarrier.arrive $0xFFFF  }
0xf6: {  	_ =	strace $0x90000047  }
0xf7: {  	[bflag:$0x2] =	sbarrier.arrive $0xFFFF  }
0xf8: {  	s0 =	rddreg [dreg:$0x4]  }
0xf9: {  	s0 =	sadd.s32 @!p0 $0x100000, s0  }
0xfa: {  	[sflag:s0] =	ssyncadd.tile.s32 @!p0 $0x1;
	_ =	shalt  }
.Lfunc_end2:
_tile_overlayer_lowered:
.L_overlay_start_2:
0xfb: {  	(tag) =	ssettag $0x2  }
0xfc: {  	s0 =	rddreg [dreg:$0x0];
	s2 =	stileid.u32  }
0xfd: {  	s1 =	rddreg [dreg:$0x1];
	p0 =	sne.s32 s2, $0x0  }
0xfe: {  	s3 =	rddreg [dreg:$0x2];
	[bflag:$0x3] =	sbarrier.arrive $0xFFFF;
	s2 =	simm.s32 @!p0 $0x1C13  }
0xff: {  	[timem:s3], [sflag:s2] =	dma.local @!p0 [hbm:s0], s1  }
0x100: {  	s0 =	simm.s32 @!p0 $0x13  }
0x101: {  	_ =	swait.ge @!p0 [sflag:s0], s1  }
0x102: {  	s1 =	ssub.s32 @!p0 $0x0, s1;
	[sflag:s0] =	ssyncset.done @!p0 $0x0  }
0x103: {  	[sflag:s0] =	ssyncadd.s32 @!p0 s1  }
0x104: {  	[bflag:$0x3] =	sbarrier.arrive $0xFFFF  }
0x105: {  	_ =	shalt  }

</sc_bundles>
